<compile_context>
chip_gen: v7x
topology: tpu7x:2x2x1
jax: 0.10.2.dev20260603
libtpu: 0.0.44.dev20260713+nightly
codegen_flags: <defaults>
</compile_context>

<pallas_src>
import functools

import jax
import jax.numpy as jnp
import numpy as np
from jax import lax
from jax.experimental import pallas as pl
from jax.experimental.pallas import tpu as pltpu
from jax.experimental.pallas import tpu_sc as plsc

_ROWS = 4096
_COLS = 2048
_R_SC = 1280
_NSUB = 32
_RPS = _R_SC // _NSUB
_CR = 4
_NCH = _RPS // _CR

_TC_BLOCK = 256

_SHIFT = 15
_TSIZE = ((126 << 8) | 255) + 1


def _log_table() -> np.ndarray:
    k = np.arange(_TSIZE, dtype=np.uint32)
    mid = ((k << np.uint32(_SHIFT)) + np.uint32(1 << (_SHIFT - 1))).view(
        np.float32).astype(np.float64)
    return np.log(np.maximum(mid, 1e-12)).astype(np.float32)


_TABLE = _log_table()


def _sc_body(hard_hbm, soft_hbm, tab_hbm, out,
             sb0, sb1, hb0, hb1, tab_v, vf, vc, sem0, sem1, semt):
    cid = lax.axis_index("c")
    sid = lax.axis_index("s")
    wid = sid * 2 + cid
    row0 = wid * _RPS
    sbufs = (sb0, sb1)
    hbufs = (hb0, hb1)
    sems = (sem0, sem1)

    tcopy = pltpu.async_copy(tab_hbm, tab_v, semt)

    def start(i, b):
        rows = pl.ds(row0 + i * _CR, _CR)
        pltpu.async_copy(soft_hbm.at[rows, :], sbufs[b], sems[b])
        pltpu.async_copy(hard_hbm.at[rows, :], hbufs[b], sems[b])

    start(0, 0)
    start(1, 1)
    tcopy.wait()

    U = 8
    zf = jnp.zeros((16,), jnp.float32)
    zi = jnp.zeros((16,), jnp.int32)
    acc = (zf,) * U + (zi,) * U

    def chunk_pair(g, carry, ):
        for b in (0, 1):
            i = 2 * g + b
            rows = pl.ds(row0 + i * _CR, _CR)
            pltpu.make_async_copy(soft_hbm.at[rows, :], sbufs[b],
                                  sems[b]).wait()
            pltpu.make_async_copy(hard_hbm.at[rows, :], hbufs[b],
                                  sems[b]).wait()
            sb, hb = sbufs[b], hbufs[b]

            def inner(j, c, sb=sb, hb=hb):
                afs = list(c[:U])
                acs = list(c[U:])
                r = lax.shift_right_logical(j, 4)
                c0 = pl.multiple_of(
                    lax.shift_left(lax.bitwise_and(j, 15), 7), 128)
                for u in range(U):
                    x = sb[r, pl.ds(c0 + u * 16, 16)]
                    h = hb[r, pl.ds(c0 + u * 16, 16)]
                    xi = lax.bitcast_convert_type(x, jnp.int32)
                    idx = lax.shift_right_logical(xi, _SHIFT)
                    t = plsc.load_gather(tab_v, [idx])
                    hf = h.astype(jnp.float32)
                    afs[u] = afs[u] + hf * t
                    acs[u] = acs[u] + h
                return tuple(afs) + tuple(acs)

            carry = lax.fori_loop(0, _CR * _COLS // (16 * U), inner, carry)

            @pl.when(i + 2 < _NCH)
            def _prefetch(i=i, b=b):
                start(i + 2, b)

        return carry

    acc = lax.fori_loop(0, _NCH // 2, chunk_pair, acc)

    accf = acc[0]
    accc = acc[U]
    for u in range(1, U):
        accf = accf + acc[u]
        accc = accc + acc[U + u]
    vf[...] = accf
    vc[...] = accc.astype(jnp.float32)
    pltpu.sync_copy(vf, out.at[wid])
    pltpu.sync_copy(vc, out.at[_NSUB + wid])


@functools.partial(
    pl.kernel,
    mesh=plsc.VectorSubcoreMesh(core_axis_name="c", subcore_axis_name="s"),
    compiler_params=pltpu.CompilerParams(needs_layout_passes=False),
    out_type=jax.ShapeDtypeStruct((2 * _NSUB, 16), jnp.float32),
    scratch_types=[
        pltpu.VMEM((_CR, _COLS), jnp.float32),
        pltpu.VMEM((_CR, _COLS), jnp.float32),
        pltpu.VMEM((_CR, _COLS), jnp.int32),
        pltpu.VMEM((_CR, _COLS), jnp.int32),
        pltpu.VMEM((_TSIZE,), jnp.float32),
        pltpu.VMEM((16,), jnp.float32),
        pltpu.VMEM((16,), jnp.float32),
        pltpu.SemaphoreType.DMA,
        pltpu.SemaphoreType.DMA,
        pltpu.SemaphoreType.DMA,
    ],
)
def _sc_call(hard_hbm, soft_hbm, tab_hbm, out,
             sb0, sb1, hb0, hb1, tab_v, vf, vc, sem0, sem1, semt):
    _sc_body(hard_hbm, soft_hbm, tab_hbm, out,
             sb0, sb1, hb0, hb1, tab_v, vf, vc, sem0, sem1, semt)


def _tc_body(hard_ref, soft_ref, logsum_ref, cnt_ref):
    @pl.when(pl.program_id(0) == 0)
    def _init():
        logsum_ref[0, 0] = 0.0
        cnt_ref[0, 0] = 0.0

    hard = hard_ref[...]
    soft = soft_ref[...]
    logv = jnp.log(jnp.maximum(soft, 1e-12))
    masked = jnp.where(hard == 1, logv, 0.0)
    logsum_ref[0, 0] += jnp.sum(masked)
    cnt_ref[0, 0] += jnp.sum(hard.astype(jnp.float32))


def _tc_call(hard2, soft2):
    rows = _ROWS - _R_SC
    blk0 = _R_SC // _TC_BLOCK
    return pl.pallas_call(
        _tc_body,
        grid=(rows // _TC_BLOCK,),
        in_specs=[
            pl.BlockSpec((_TC_BLOCK, _COLS), lambda i: (i + blk0, 0)),
            pl.BlockSpec((_TC_BLOCK, _COLS), lambda i: (i + blk0, 0)),
        ],
        out_specs=[
            pl.BlockSpec((1, 1), lambda i: (0, 0), memory_space=pltpu.SMEM),
            pl.BlockSpec((1, 1), lambda i: (0, 0), memory_space=pltpu.SMEM),
        ],
        out_shape=[
            jax.ShapeDtypeStruct((1, 1), jnp.float32),
            jax.ShapeDtypeStruct((1, 1), jnp.float32),
        ],
    )(hard2, soft2)


def kernel(hard_attention, soft_attention):
    hard2 = hard_attention.reshape(_ROWS, _COLS)
    soft2 = soft_attention.reshape(_ROWS, _COLS)
    sc_parts = _sc_call(hard2, soft2, jnp.asarray(_TABLE))
    tc_ls, tc_cn = _tc_call(hard2, soft2)
    sums = jnp.sum(sc_parts.reshape(2, _NSUB, 16), axis=(1, 2))
    log_sum = sums[0] + tc_ls[0, 0]
    cnt = sums[1] + tc_cn[0, 0]
    return -log_sum / cnt

# --- scband reference (transcript-rebuilt; emitter-appended) ---
"""Pipeline reference for scband-bin-loss-1486058684936 (READ-ONLY COPY).

The authoritative reference and input builder live on the scoring server;
editing this copy changes nothing except your own understanding.
"""

import jax, jax.numpy as jnp
import numpy as np


def setup_inputs(seed: int = 0) -> dict:
    key = jax.random.key(seed)
    k1, k2 = jax.random.split(key)
    hard_attention = jax.random.randint(k1, (8, 512, 2048), 0, 2, dtype=jnp.int64 if jax.config.jax_enable_x64 else jnp.int32).astype(jnp.int32)
    soft_attention = jax.random.uniform(k2, (8, 512, 2048), dtype=jnp.float32)
    return {"hard_attention": hard_attention, "soft_attention": soft_attention}


def reference(hard_attention, soft_attention):
    # log_sum = log(clamp(soft[hard==1], min=1e-12)).sum()
    mask = (hard_attention == 1)
    log_vals = jnp.log(jnp.clip(soft_attention, 1e-12))
    log_sum = jnp.where(mask, log_vals, 0.0).sum()
    return -log_sum / hard_attention.sum()

if __name__ == "__main__":
    import jax
    _d = setup_inputs()
    print(jax.jit(kernel)(*tuple(_d.values())))

</pallas_src>

<mosaic_0001>
#map = affine_map<(d0, d1) -> (0, 0)>
#map1 = affine_map<(d0, d1) -> (0)>
module attributes {stable_mosaic.version = 14 : i64} {
  func.func @_sc_call(%arg0: i32, %arg1: i32, %arg2: memref<4096x2048xi32, #tpu.memory_space<hbm>>, %arg3: memref<4096x2048xf32, #tpu.memory_space<hbm>>, %arg4: memref<32512xf32, #tpu.memory_space<hbm>>, %arg5: memref<64x16xf32, #tpu.memory_space<hbm>>, %arg6: memref<4x2048xf32, #tpu.memory_space<vmem>>, %arg7: memref<4x2048xf32, #tpu.memory_space<vmem>>, %arg8: memref<4x2048xi32, #tpu.memory_space<vmem>>, %arg9: memref<4x2048xi32, #tpu.memory_space<vmem>>, %arg10: memref<32512xf32, #tpu.memory_space<vmem>>, %arg11: memref<16xf32, #tpu.memory_space<vmem>>, %arg12: memref<16xf32, #tpu.memory_space<vmem>>, %arg13: memref<!tpu.dma_semaphore, #tpu.memory_space<semaphore_mem>>, %arg14: memref<!tpu.dma_semaphore, #tpu.memory_space<semaphore_mem>>, %arg15: memref<!tpu.dma_semaphore, #tpu.memory_space<semaphore_mem>>) attributes {dimension_semantics = [#tpu.dimension_semantics<core_parallel>, #tpu.dimension_semantics<subcore_parallel>], iteration_bounds = array<i64: 2, 16>, scalar_prefetch = 0 : i64, scratch_operands = 10 : i64, tpu.core_type = #tpu.core_type<sc_vector_subcore>, window_params = [{transform_indices = #map}, {transform_indices = #map}, {transform_indices = #map1}, {transform_indices = #map}]} {
    %mul3A = arith.constant 2 : i32
    %mul3A_0 = arith.muli %arg1, %mul3A : i32
    %add3A = arith.addi %mul3A_0, %arg0 : i32
    %mul3A_1 = arith.constant 40 : i32
    %mul3A_2 = arith.muli %add3A, %mul3A_1 : i32
    tpu.enqueue_dma source(%arg4 : memref<32512xf32, #tpu.memory_space<hbm>>) target(%arg10 : memref<32512xf32, #tpu.memory_space<vmem>>) target_semaphore(%arg15 : memref<!tpu.dma_semaphore, #tpu.memory_space<semaphore_mem>>)
    %add3A_3 = arith.constant 0 : i32
    %add3A_4 = arith.addi %mul3A_2, %add3A_3 : i32
    %dma_start3A = arith.constant 0 : i32
    %dma_start3A_5 = tpu.memref_slice %arg3[%add3A_4, %dma_start3A] : memref<4096x2048xf32, #tpu.memory_space<hbm>> -> memref<4x2048xf32, #tpu.memory_space<hbm>>
    %dma_start3A_6 = arith.constant 0 : i32
    %dma_start3A_7 = tpu.memref_slice %arg3[%add3A_4, %dma_start3A_6] : memref<4096x2048xf32, #tpu.memory_space<hbm>> -> memref<4x2048xf32, #tpu.memory_space<hbm>>
    tpu.enqueue_dma source(%dma_start3A_7 : memref<4x2048xf32, #tpu.memory_space<hbm>>) target(%arg6 : memref<4x2048xf32, #tpu.memory_space<vmem>>) target_semaphore(%arg13 : memref<!tpu.dma_semaphore, #tpu.memory_space<semaphore_mem>>)
    %dma_start3A_8 = arith.constant 0 : i32
    %dma_start3A_9 = tpu.memref_slice %arg2[%add3A_4, %dma_start3A_8] : memref<4096x2048xi32, #tpu.memory_space<hbm>> -> memref<4x2048xi32, #tpu.memory_space<hbm>>
    %dma_start3A_10 = arith.constant 0 : i32
    %dma_start3A_11 = tpu.memref_slice %arg2[%add3A_4, %dma_start3A_10] : memref<4096x2048xi32, #tpu.memory_space<hbm>> -> memref<4x2048xi32, #tpu.memory_space<hbm>>
    tpu.enqueue_dma source(%dma_start3A_11 : memref<4x2048xi32, #tpu.memory_space<hbm>>) target(%arg8 : memref<4x2048xi32, #tpu.memory_space<vmem>>) target_semaphore(%arg13 : memref<!tpu.dma_semaphore, #tpu.memory_space<semaphore_mem>>)
    %add3A_12 = arith.constant 4 : i32
    %add3A_13 = arith.addi %mul3A_2, %add3A_12 : i32
    %dma_start3A_14 = arith.constant 0 : i32
    %dma_start3A_15 = tpu.memref_slice %arg3[%add3A_13, %dma_start3A_14] : memref<4096x2048xf32, #tpu.memory_space<hbm>> -> memref<4x2048xf32, #tpu.memory_space<hbm>>
    %dma_start3A_16 = arith.constant 0 : i32
    %dma_start3A_17 = tpu.memref_slice %arg3[%add3A_13, %dma_start3A_16] : memref<4096x2048xf32, #tpu.memory_space<hbm>> -> memref<4x2048xf32, #tpu.memory_space<hbm>>
    tpu.enqueue_dma source(%dma_start3A_17 : memref<4x2048xf32, #tpu.memory_space<hbm>>) target(%arg7 : memref<4x2048xf32, #tpu.memory_space<vmem>>) target_semaphore(%arg14 : memref<!tpu.dma_semaphore, #tpu.memory_space<semaphore_mem>>)
    %dma_start3A_18 = arith.constant 0 : i32
    %dma_start3A_19 = tpu.memref_slice %arg2[%add3A_13, %dma_start3A_18] : memref<4096x2048xi32, #tpu.memory_space<hbm>> -> memref<4x2048xi32, #tpu.memory_space<hbm>>
    %dma_start3A_20 = arith.constant 0 : i32
    %dma_start3A_21 = tpu.memref_slice %arg2[%add3A_13, %dma_start3A_20] : memref<4096x2048xi32, #tpu.memory_space<hbm>> -> memref<4x2048xi32, #tpu.memory_space<hbm>>
    tpu.enqueue_dma source(%dma_start3A_21 : memref<4x2048xi32, #tpu.memory_space<hbm>>) target(%arg9 : memref<4x2048xi32, #tpu.memory_space<vmem>>) target_semaphore(%arg14 : memref<!tpu.dma_semaphore, #tpu.memory_space<semaphore_mem>>)
    tpu.wait_dma2 semaphore(%arg15 : memref<!tpu.dma_semaphore, #tpu.memory_space<semaphore_mem>>) src(%arg4 : memref<32512xf32, #tpu.memory_space<hbm>>) dst(%arg10 : memref<32512xf32, #tpu.memory_space<vmem>>)
    %broadcast_in_dim3A = arith.constant 0.000000e+00 : f32
    %broadcast_in_dim3A_22 = vector.broadcast %broadcast_in_dim3A : f32 to vector<16xf32>
    %broadcast_in_dim3A_23 = arith.constant 0 : i32
    %broadcast_in_dim3A_24 = vector.broadcast %broadcast_in_dim3A_23 : i32 to vector<16xi32>
    %scan3A = arith.constant 0 : i32
    %scan3A_25 = arith.constant 5 : i32
    %scan3A_26 = arith.addi %scan3A, %scan3A_25 : i32
    %scan3A_27 = arith.constant 1 : i32
    %scan3A_28:16 = scf.for %scan3A_49 = %scan3A to %scan3A_26 step %scan3A_27 iter_args(%scan3A_50 = %broadcast_in_dim3A_22, %scan3A_51 = %broadcast_in_dim3A_22, %scan3A_52 = %broadcast_in_dim3A_22, %scan3A_53 = %broadcast_in_dim3A_22, %scan3A_54 = %broadcast_in_dim3A_22, %scan3A_55 = %broadcast_in_dim3A_22, %scan3A_56 = %broadcast_in_dim3A_22, %scan3A_57 = %broadcast_in_dim3A_22, %scan3A_58 = %broadcast_in_dim3A_24, %scan3A_59 = %broadcast_in_dim3A_24, %scan3A_60 = %broadcast_in_dim3A_24, %scan3A_61 = %broadcast_in_dim3A_24, %scan3A_62 = %broadcast_in_dim3A_24, %scan3A_63 = %broadcast_in_dim3A_24, %scan3A_64 = %broadcast_in_dim3A_24, %scan3A_65 = %broadcast_in_dim3A_24) -> (vector<16xf32>, vector<16xf32>, vector<16xf32>, vector<16xf32>, vector<16xf32>, vector<16xf32>, vector<16xf32>, vector<16xf32>, vector<16xi32>, vector<16xi32>, vector<16xi32>, vector<16xi32>, vector<16xi32>, vector<16xi32>, vector<16xi32>, vector<16xi32>)  : i32 {
      %mul3A_66 = arith.constant 2 : i32
      %mul3A_67 = arith.muli %mul3A_66, %scan3A_49 : i32
      %add3A_68 = arith.constant 0 : i32
      %add3A_69 = arith.addi %mul3A_67, %add3A_68 : i32
      %mul3A_70 = arith.constant 4 : i32
      %mul3A_71 = arith.muli %add3A_69, %mul3A_70 : i32
      %add3A_72 = arith.addi %mul3A_2, %mul3A_71 : i32
      %dma_wait3A = arith.constant 0 : i32
      %dma_wait3A_73 = tpu.memref_slice %arg3[%add3A_72, %dma_wait3A] : memref<4096x2048xf32, #tpu.memory_space<hbm>> -> memref<4x2048xf32, #tpu.memory_space<hbm>>
      %dma_wait3A_74 = arith.constant 0 : i32
      %dma_wait3A_75 = tpu.memref_slice %arg3[%add3A_72, %dma_wait3A_74] : memref<4096x2048xf32, #tpu.memory_space<hbm>> -> memref<4x2048xf32, #tpu.memory_space<hbm>>
      tpu.wait_dma2 semaphore(%arg13 : memref<!tpu.dma_semaphore, #tpu.memory_space<semaphore_mem>>) src(%dma_wait3A_75 : memref<4x2048xf32, #tpu.memory_space<hbm>>) dst(%arg6 : memref<4x2048xf32, #tpu.memory_space<vmem>>)
      %dma_wait3A_76 = arith.constant 0 : i32
      %dma_wait3A_77 = tpu.memref_slice %arg2[%add3A_72, %dma_wait3A_76] : memref<4096x2048xi32, #tpu.memory_space<hbm>> -> memref<4x2048xi32, #tpu.memory_space<hbm>>
      %dma_wait3A_78 = arith.constant 0 : i32
      %dma_wait3A_79 = tpu.memref_slice %arg2[%add3A_72, %dma_wait3A_78] : memref<4096x2048xi32, #tpu.memory_space<hbm>> -> memref<4x2048xi32, #tpu.memory_space<hbm>>
      tpu.wait_dma2 semaphore(%arg13 : memref<!tpu.dma_semaphore, #tpu.memory_space<semaphore_mem>>) src(%dma_wait3A_79 : memref<4x2048xi32, #tpu.memory_space<hbm>>) dst(%arg8 : memref<4x2048xi32, #tpu.memory_space<vmem>>)
      %scan3A_80 = arith.constant 0 : i32
      %scan3A_81 = arith.constant 64 : i32
      %scan3A_82 = arith.addi %scan3A_80, %scan3A_81 : i32
      %scan3A_83 = arith.constant 1 : i32
      %scan3A_84:16 = scf.for %scan3A_119 = %scan3A_80 to %scan3A_82 step %scan3A_83 iter_args(%scan3A_120 = %scan3A_50, %scan3A_121 = %scan3A_51, %scan3A_122 = %scan3A_52, %scan3A_123 = %scan3A_53, %scan3A_124 = %scan3A_54, %scan3A_125 = %scan3A_55, %scan3A_126 = %scan3A_56, %scan3A_127 = %scan3A_57, %scan3A_128 = %scan3A_58, %scan3A_129 = %scan3A_59, %scan3A_130 = %scan3A_60, %scan3A_131 = %scan3A_61, %scan3A_132 = %scan3A_62, %scan3A_133 = %scan3A_63, %scan3A_134 = %scan3A_64, %scan3A_135 = %scan3A_65) -> (vector<16xf32>, vector<16xf32>, vector<16xf32>, vector<16xf32>, vector<16xf32>, vector<16xf32>, vector<16xf32>, vector<16xf32>, vector<16xi32>, vector<16xi32>, vector<16xi32>, vector<16xi32>, vector<16xi32>, vector<16xi32>, vector<16xi32>, vector<16xi32>)  : i32 {
        %shift_right_logical3A = arith.constant 4 : i32
        %shift_right_logical3A_136 = arith.shrui %scan3A_119, %shift_right_logical3A : i32
        %and3A = arith.constant 15 : i32
        %and3A_137 = arith.andi %scan3A_119, %and3A : i32
        %shift_left3A = arith.constant 7 : i32
        %shift_left3A_138 = arith.shli %and3A_137, %shift_left3A : i32
        %multiple_of3A = tpu.assume_multiple %shift_left3A_138, 128 : i32
        %add3A_139 = arith.constant 0 : i32
        %add3A_140 = arith.addi %multiple_of3A, %add3A_139 : i32
        %get3A = arith.index_cast %shift_right_logical3A_136 : i32 to index
        %get3A_141 = arith.index_cast %add3A_140 : i32 to index
        %get3A_142 = tpu.vector_load %arg6[%get3A, %get3A_141] {strides = array<i32>} : memref<4x2048xf32, #tpu.memory_space<vmem>>, vector<16xf32>,
        %add3A_143 = arith.constant 0 : i32
        %add3A_144 = arith.addi %multiple_of3A, %add3A_143 : i32
        %get3A_145 = arith.index_cast %shift_right_logical3A_136 : i32 to index
        %get3A_146 = arith.index_cast %add3A_144 : i32 to index
        %get3A_147 = tpu.vector_load %arg8[%get3A_145, %get3A_146] {strides = array<i32>} : memref<4x2048xi32, #tpu.memory_space<vmem>>, vector<16xi32>,
        %bitcast_convert_type3A = tpu.bitcast %get3A_142 : vector<16xf32> -> vector<16xi32>
        %shift_right_logical3A_148 = arith.constant 15 : i32
        %shift_right_logical3A_149 = vector.broadcast %shift_right_logical3A_148 : i32 to vector<16xi32>
        %shift_right_logical3A_150 = arith.shrui %bitcast_convert_type3A, %shift_right_logical3A_149 : vector<16xi32>
        %gather3A = tpu.vector_load_idx %arg10[%shift_right_logical3A_150] : memref<32512xf32, #tpu.memory_space<vmem>>[vector<16xi32>], vector<16xf32>,
        %convert_element_type3A_151 = arith.sitofp %get3A_147 : vector<16xi32> to vector<16xf32>
        %mul3A_152 = arith.mulf %convert_element_type3A_151, %gather3A : vector<16xf32>
        %add3A_153 = arith.addf %scan3A_120, %mul3A_152 : vector<16xf32>
        %add3A_154 = arith.addi %scan3A_128, %get3A_147 : vector<16xi32>
        %add3A_155 = arith.constant 16 : i32
        %add3A_156 = arith.addi %multiple_of3A, %add3A_155 : i32
        %get3A_157 = arith.index_cast %shift_right_logical3A_136 : i32 to index
        %get3A_158 = arith.index_cast %add3A_156 : i32 to index
        %get3A_159 = tpu.vector_load %arg6[%get3A_157, %get3A_158] {strides = array<i32>} : memref<4x2048xf32, #tpu.memory_space<vmem>>, vector<16xf32>,
        %add3A_160 = arith.constant 16 : i32
        %add3A_161 = arith.addi %multiple_of3A, %add3A_160 : i32
        %get3A_162 = arith.index_cast %shift_right_logical3A_136 : i32 to index
        %get3A_163 = arith.index_cast %add3A_161 : i32 to index
        %get3A_164 = tpu.vector_load %arg8[%get3A_162, %get3A_163] {strides = array<i32>} : memref<4x2048xi32, #tpu.memory_space<vmem>>, vector<16xi32>,
        %bitcast_convert_type3A_165 = tpu.bitcast %get3A_159 : vector<16xf32> -> vector<16xi32>
        %shift_right_logical3A_166 = arith.constant 15 : i32
        %shift_right_logical3A_167 = vector.broadcast %shift_right_logical3A_166 : i32 to vector<16xi32>
        %shift_right_logical3A_168 = arith.shrui %bitcast_convert_type3A_165, %shift_right_logical3A_167 : vector<16xi32>
        %gather3A_169 = tpu.vector_load_idx %arg10[%shift_right_logical3A_168] : memref<32512xf32, #tpu.memory_space<vmem>>[vector<16xi32>], vector<16xf32>,
        %convert_element_type3A_170 = arith.sitofp %get3A_164 : vector<16xi32> to vector<16xf32>
        %mul3A_171 = arith.mulf %convert_element_type3A_170, %gather3A_169 : vector<16xf32>
        %add3A_172 = arith.addf %scan3A_121, %mul3A_171 : vector<16xf32>
        %add3A_173 = arith.addi %scan3A_129, %get3A_164 : vector<16xi32>
        %add3A_174 = arith.constant 32 : i32
        %add3A_175 = arith.addi %multiple_of3A, %add3A_174 : i32
        %get3A_176 = arith.index_cast %shift_right_logical3A_136 : i32 to index
        %get3A_177 = arith.index_cast %add3A_175 : i32 to index
        %get3A_178 = tpu.vector_load %arg6[%get3A_176, %get3A_177] {strides = array<i32>} : memref<4x2048xf32, #tpu.memory_space<vmem>>, vector<16xf32>,
        %add3A_179 = arith.constant 32 : i32
        %add3A_180 = arith.addi %multiple_of3A, %add3A_179 : i32
        %get3A_181 = arith.index_cast %shift_right_logical3A_136 : i32 to index
        %get3A_182 = arith.index_cast %add3A_180 : i32 to index
        %get3A_183 = tpu.vector_load %arg8[%get3A_181, %get3A_182] {strides = array<i32>} : memref<4x2048xi32, #tpu.memory_space<vmem>>, vector<16xi32>,
        %bitcast_convert_type3A_184 = tpu.bitcast %get3A_178 : vector<16xf32> -> vector<16xi32>
        %shift_right_logical3A_185 = arith.constant 15 : i32
        %shift_right_logical3A_186 = vector.broadcast %shift_right_logical3A_185 : i32 to vector<16xi32>
        %shift_right_logical3A_187 = arith.shrui %bitcast_convert_type3A_184, %shift_right_logical3A_186 : vector<16xi32>
        %gather3A_188 = tpu.vector_load_idx %arg10[%shift_right_logical3A_187] : memref<32512xf32, #tpu.memory_space<vmem>>[vector<16xi32>], vector<16xf32>,
        %convert_element_type3A_189 = arith.sitofp %get3A_183 : vector<16xi32> to vector<16xf32>
        %mul3A_190 = arith.mulf %convert_element_type3A_189, %gather3A_188 : vector<16xf32>
        %add3A_191 = arith.addf %scan3A_122, %mul3A_190 : vector<16xf32>
        %add3A_192 = arith.addi %scan3A_130, %get3A_183 : vector<16xi32>
        %add3A_193 = arith.constant 48 : i32
        %add3A_194 = arith.addi %multiple_of3A, %add3A_193 : i32
        %get3A_195 = arith.index_cast %shift_right_logical3A_136 : i32 to index
        %get3A_196 = arith.index_cast %add3A_194 : i32 to index
        %get3A_197 = tpu.vector_load %arg6[%get3A_195, %get3A_196] {strides = array<i32>} : memref<4x2048xf32, #tpu.memory_space<vmem>>, vector<16xf32>,
        %add3A_198 = arith.constant 48 : i32
        %add3A_199 = arith.addi %multiple_of3A, %add3A_198 : i32
        %get3A_200 = arith.index_cast %shift_right_logical3A_136 : i32 to index
        %get3A_201 = arith.index_cast %add3A_199 : i32 to index
        %get3A_202 = tpu.vector_load %arg8[%get3A_200, %get3A_201] {strides = array<i32>} : memref<4x2048xi32, #tpu.memory_space<vmem>>, vector<16xi32>,
        %bitcast_convert_type3A_203 = tpu.bitcast %get3A_197 : vector<16xf32> -> vector<16xi32>
        %shift_right_logical3A_204 = arith.constant 15 : i32
        %shift_right_logical3A_205 = vector.broadcast %shift_right_logical3A_204 : i32 to vector<16xi32>
        %shift_right_logical3A_206 = arith.shrui %bitcast_convert_type3A_203, %shift_right_logical3A_205 : vector<16xi32>
        %gather3A_207 = tpu.vector_load_idx %arg10[%shift_right_logical3A_206] : memref<32512xf32, #tpu.memory_space<vmem>>[vector<16xi32>], vector<16xf32>,
        %convert_element_type3A_208 = arith.sitofp %get3A_202 : vector<16xi32> to vector<16xf32>
        %mul3A_209 = arith.mulf %convert_element_type3A_208, %gather3A_207 : vector<16xf32>
        %add3A_210 = arith.addf %scan3A_123, %mul3A_209 : vector<16xf32>
        %add3A_211 = arith.addi %scan3A_131, %get3A_202 : vector<16xi32>
        %add3A_212 = arith.constant 64 : i32
        %add3A_213 = arith.addi %multiple_of3A, %add3A_212 : i32
        %get3A_214 = arith.index_cast %shift_right_logical3A_136 : i32 to index
        %get3A_215 = arith.index_cast %add3A_213 : i32 to index
        %get3A_216 = tpu.vector_load %arg6[%get3A_214, %get3A_215] {strides = array<i32>} : memref<4x2048xf32, #tpu.memory_space<vmem>>, vector<16xf32>,
        %add3A_217 = arith.constant 64 : i32
        %add3A_218 = arith.addi %multiple_of3A, %add3A_217 : i32
        %get3A_219 = arith.index_cast %shift_right_logical3A_136 : i32 to index
        %get3A_220 = arith.index_cast %add3A_218 : i32 to index
        %get3A_221 = tpu.vector_load %arg8[%get3A_219, %get3A_220] {strides = array<i32>} : memref<4x2048xi32, #tpu.memory_space<vmem>>, vector<16xi32>,
        %bitcast_convert_type3A_222 = tpu.bitcast %get3A_216 : vector<16xf32> -> vector<16xi32>
        %shift_right_logical3A_223 = arith.constant 15 : i32
        %shift_right_logical3A_224 = vector.broadcast %shift_right_logical3A_223 : i32 to vector<16xi32>
        %shift_right_logical3A_225 = arith.shrui %bitcast_convert_type3A_222, %shift_right_logical3A_224 : vector<16xi32>
        %gather3A_226 = tpu.vector_load_idx %arg10[%shift_right_logical3A_225] : memref<32512xf32, #tpu.memory_space<vmem>>[vector<16xi32>], vector<16xf32>,
        %convert_element_type3A_227 = arith.sitofp %get3A_221 : vector<16xi32> to vector<16xf32>
        %mul3A_228 = arith.mulf %convert_element_type3A_227, %gather3A_226 : vector<16xf32>
        %add3A_229 = arith.addf %scan3A_124, %mul3A_228 : vector<16xf32>
        %add3A_230 = arith.addi %scan3A_132, %get3A_221 : vector<16xi32>
        %add3A_231 = arith.constant 80 : i32
        %add3A_232 = arith.addi %multiple_of3A, %add3A_231 : i32
        %get3A_233 = arith.index_cast %shift_right_logical3A_136 : i32 to index
        %get3A_234 = arith.index_cast %add3A_232 : i32 to index
        %get3A_235 = tpu.vector_load %arg6[%get3A_233, %get3A_234] {strides = array<i32>} : memref<4x2048xf32, #tpu.memory_space<vmem>>, vector<16xf32>,
        %add3A_236 = arith.constant 80 : i32
        %add3A_237 = arith.addi %multiple_of3A, %add3A_236 : i32
        %get3A_238 = arith.index_cast %shift_right_logical3A_136 : i32 to index
        %get3A_239 = arith.index_cast %add3A_237 : i32 to index
        %get3A_240 = tpu.vector_load %arg8[%get3A_238, %get3A_239] {strides = array<i32>} : memref<4x2048xi32, #tpu.memory_space<vmem>>, vector<16xi32>,
        %bitcast_convert_type3A_241 = tpu.bitcast %get3A_235 : vector<16xf32> -> vector<16xi32>
        %shift_right_logical3A_242 = arith.constant 15 : i32
        %shift_right_logical3A_243 = vector.broadcast %shift_right_logical3A_242 : i32 to vector<16xi32>
        %shift_right_logical3A_244 = arith.shrui %bitcast_convert_type3A_241, %shift_right_logical3A_243 : vector<16xi32>
        %gather3A_245 = tpu.vector_load_idx %arg10[%shift_right_logical3A_244] : memref<32512xf32, #tpu.memory_space<vmem>>[vector<16xi32>], vector<16xf32>,
        %convert_element_type3A_246 = arith.sitofp %get3A_240 : vector<16xi32> to vector<16xf32>
        %mul3A_247 = arith.mulf %convert_element_type3A_246, %gather3A_245 : vector<16xf32>
        %add3A_248 = arith.addf %scan3A_125, %mul3A_247 : vector<16xf32>
        %add3A_249 = arith.addi %scan3A_133, %get3A_240 : vector<16xi32>
        %add3A_250 = arith.constant 96 : i32
        %add3A_251 = arith.addi %multiple_of3A, %add3A_250 : i32
        %get3A_252 = arith.index_cast %shift_right_logical3A_136 : i32 to index
        %get3A_253 = arith.index_cast %add3A_251 : i32 to index
        %get3A_254 = tpu.vector_load %arg6[%get3A_252, %get3A_253] {strides = array<i32>} : memref<4x2048xf32, #tpu.memory_space<vmem>>, vector<16xf32>,
        %add3A_255 = arith.constant 96 : i32
        %add3A_256 = arith.addi %multiple_of3A, %add3A_255 : i32
        %get3A_257 = arith.index_cast %shift_right_logical3A_136 : i32 to index
        %get3A_258 = arith.index_cast %add3A_256 : i32 to index
        %get3A_259 = tpu.vector_load %arg8[%get3A_257, %get3A_258] {strides = array<i32>} : memref<4x2048xi32, #tpu.memory_space<vmem>>, vector<16xi32>,
        %bitcast_convert_type3A_260 = tpu.bitcast %get3A_254 : vector<16xf32> -> vector<16xi32>
        %shift_right_logical3A_261 = arith.constant 15 : i32
        %shift_right_logical3A_262 = vector.broadcast %shift_right_logical3A_261 : i32 to vector<16xi32>
        %shift_right_logical3A_263 = arith.shrui %bitcast_convert_type3A_260, %shift_right_logical3A_262 : vector<16xi32>
        %gather3A_264 = tpu.vector_load_idx %arg10[%shift_right_logical3A_263] : memref<32512xf32, #tpu.memory_space<vmem>>[vector<16xi32>], vector<16xf32>,
        %convert_element_type3A_265 = arith.sitofp %get3A_259 : vector<16xi32> to vector<16xf32>
        %mul3A_266 = arith.mulf %convert_element_type3A_265, %gather3A_264 : vector<16xf32>
        %add3A_267 = arith.addf %scan3A_126, %mul3A_266 : vector<16xf32>
        %add3A_268 = arith.addi %scan3A_134, %get3A_259 : vector<16xi32>
        %add3A_269 = arith.constant 112 : i32
        %add3A_270 = arith.addi %multiple_of3A, %add3A_269 : i32
        %get3A_271 = arith.index_cast %shift_right_logical3A_136 : i32 to index
        %get3A_272 = arith.index_cast %add3A_270 : i32 to index
        %get3A_273 = tpu.vector_load %arg6[%get3A_271, %get3A_272] {strides = array<i32>} : memref<4x2048xf32, #tpu.memory_space<vmem>>, vector<16xf32>,
        %add3A_274 = arith.constant 112 : i32
        %add3A_275 = arith.addi %multiple_of3A, %add3A_274 : i32
        %get3A_276 = arith.index_cast %shift_right_logical3A_136 : i32 to index
        %get3A_277 = arith.index_cast %add3A_275 : i32 to index
        %get3A_278 = tpu.vector_load %arg8[%get3A_276, %get3A_277] {strides = array<i32>} : memref<4x2048xi32, #tpu.memory_space<vmem>>, vector<16xi32>,
        %bitcast_convert_type3A_279 = tpu.bitcast %get3A_273 : vector<16xf32> -> vector<16xi32>
        %shift_right_logical3A_280 = arith.constant 15 : i32
        %shift_right_logical3A_281 = vector.broadcast %shift_right_logical3A_280 : i32 to vector<16xi32>
        %shift_right_logical3A_282 = arith.shrui %bitcast_convert_type3A_279, %shift_right_logical3A_281 : vector<16xi32>
        %gather3A_283 = tpu.vector_load_idx %arg10[%shift_right_logical3A_282] : memref<32512xf32, #tpu.memory_space<vmem>>[vector<16xi32>], vector<16xf32>,
        %convert_element_type3A_284 = arith.sitofp %get3A_278 : vector<16xi32> to vector<16xf32>
        %mul3A_285 = arith.mulf %convert_element_type3A_284, %gather3A_283 : vector<16xf32>
        %add3A_286 = arith.addf %scan3A_127, %mul3A_285 : vector<16xf32>
        %add3A_287 = arith.addi %scan3A_135, %get3A_278 : vector<16xi32>
        scf.yield %add3A_153, %add3A_172, %add3A_191, %add3A_210, %add3A_229, %add3A_248, %add3A_267, %add3A_286, %add3A_154, %add3A_173, %add3A_192, %add3A_211, %add3A_230, %add3A_249, %add3A_268, %add3A_287 : vector<16xf32>, vector<16xf32>, vector<16xf32>, vector<16xf32>, vector<16xf32>, vector<16xf32>, vector<16xf32>, vector<16xf32>, vector<16xi32>, vector<16xi32>, vector<16xi32>, vector<16xi32>, vector<16xi32>, vector<16xi32>, vector<16xi32>, vector<16xi32>
      }
      %scan3A_85 = arith.constant 64 : i32
      %add3A_86 = arith.constant 2 : i32
      %add3A_87 = arith.addi %add3A_69, %add3A_86 : i32
      %lt3A = arith.constant 10 : i32
      %lt3A_88 = arith.cmpi slt, %add3A_87, %lt3A : i32
      %convert_element_type3A_89 = arith.extui %lt3A_88 : i1 to i32
      %cond3A = arith.constant 0 : i32
      %cond3A_90 = arith.cmpi ne, %convert_element_type3A_89, %cond3A : i32
      scf.if %cond3A_90 {
        %add3A_119 = arith.constant 2 : i32
        %add3A_120 = arith.addi %add3A_69, %add3A_119 : i32
        %mul3A_121 = arith.constant 4 : i32
        %mul3A_122 = arith.muli %add3A_120, %mul3A_121 : i32
        %add3A_123 = arith.addi %mul3A_2, %mul3A_122 : i32
        %dma_start3A_124 = arith.constant 0 : i32
        %dma_start3A_125 = tpu.memref_slice %arg3[%add3A_123, %dma_start3A_124] : memref<4096x2048xf32, #tpu.memory_space<hbm>> -> memref<4x2048xf32, #tpu.memory_space<hbm>>
        %dma_start3A_126 = arith.constant 0 : i32
        %dma_start3A_127 = tpu.memref_slice %arg3[%add3A_123, %dma_start3A_126] : memref<4096x2048xf32, #tpu.memory_space<hbm>> -> memref<4x2048xf32, #tpu.memory_space<hbm>>
        tpu.enqueue_dma source(%dma_start3A_127 : memref<4x2048xf32, #tpu.memory_space<hbm>>) target(%arg6 : memref<4x2048xf32, #tpu.memory_space<vmem>>) target_semaphore(%arg13 : memref<!tpu.dma_semaphore, #tpu.memory_space<semaphore_mem>>)
        %dma_start3A_128 = arith.constant 0 : i32
        %dma_start3A_129 = tpu.memref_slice %arg2[%add3A_123, %dma_start3A_128] : memref<4096x2048xi32, #tpu.memory_space<hbm>> -> memref<4x2048xi32, #tpu.memory_space<hbm>>
        %dma_start3A_130 = arith.constant 0 : i32
        %dma_start3A_131 = tpu.memref_slice %arg2[%add3A_123, %dma_start3A_130] : memref<4096x2048xi32, #tpu.memory_space<hbm>> -> memref<4x2048xi32, #tpu.memory_space<hbm>>
        tpu.enqueue_dma source(%dma_start3A_131 : memref<4x2048xi32, #tpu.memory_space<hbm>>) target(%arg8 : memref<4x2048xi32, #tpu.memory_space<vmem>>) target_semaphore(%arg13 : memref<!tpu.dma_semaphore, #tpu.memory_space<semaphore_mem>>)
      } else {
      }
      %mul3A_91 = arith.constant 2 : i32
      %mul3A_92 = arith.muli %mul3A_91, %scan3A_49 : i32
      %add3A_93 = arith.constant 1 : i32
      %add3A_94 = arith.addi %mul3A_92, %add3A_93 : i32
      %mul3A_95 = arith.constant 4 : i32
      %mul3A_96 = arith.muli %add3A_94, %mul3A_95 : i32
      %add3A_97 = arith.addi %mul3A_2, %mul3A_96 : i32
      %dma_wait3A_98 = arith.constant 0 : i32
      %dma_wait3A_99 = tpu.memref_slice %arg3[%add3A_97, %dma_wait3A_98] : memref<4096x2048xf32, #tpu.memory_space<hbm>> -> memref<4x2048xf32, #tpu.memory_space<hbm>>
      %dma_wait3A_100 = arith.constant 0 : i32
      %dma_wait3A_101 = tpu.memref_slice %arg3[%add3A_97, %dma_wait3A_100] : memref<4096x2048xf32, #tpu.memory_space<hbm>> -> memref<4x2048xf32, #tpu.memory_space<hbm>>
      tpu.wait_dma2 semaphore(%arg14 : memref<!tpu.dma_semaphore, #tpu.memory_space<semaphore_mem>>) src(%dma_wait3A_101 : memref<4x2048xf32, #tpu.memory_space<hbm>>) dst(%arg7 : memref<4x2048xf32, #tpu.memory_space<vmem>>)
      %dma_wait3A_102 = arith.constant 0 : i32
      %dma_wait3A_103 = tpu.memref_slice %arg2[%add3A_97, %dma_wait3A_102] : memref<4096x2048xi32, #tpu.memory_space<hbm>> -> memref<4x2048xi32, #tpu.memory_space<hbm>>
      %dma_wait3A_104 = arith.constant 0 : i32
      %dma_wait3A_105 = tpu.memref_slice %arg2[%add3A_97, %dma_wait3A_104] : memref<4096x2048xi32, #tpu.memory_space<hbm>> -> memref<4x2048xi32, #tpu.memory_space<hbm>>
      tpu.wait_dma2 semaphore(%arg14 : memref<!tpu.dma_semaphore, #tpu.memory_space<semaphore_mem>>) src(%dma_wait3A_105 : memref<4x2048xi32, #tpu.memory_space<hbm>>) dst(%arg9 : memref<4x2048xi32, #tpu.memory_space<vmem>>)
      %scan3A_106 = arith.constant 0 : i32
      %scan3A_107 = arith.constant 64 : i32
      %scan3A_108 = arith.addi %scan3A_106, %scan3A_107 : i32
      %scan3A_109 = arith.constant 1 : i32
      %scan3A_110:16 = scf.for %scan3A_119 = %scan3A_106 to %scan3A_108 step %scan3A_109 iter_args(%scan3A_120 = %scan3A_84#0, %scan3A_121 = %scan3A_84#1, %scan3A_122 = %scan3A_84#2, %scan3A_123 = %scan3A_84#3, %scan3A_124 = %scan3A_84#4, %scan3A_125 = %scan3A_84#5, %scan3A_126 = %scan3A_84#6, %scan3A_127 = %scan3A_84#7, %scan3A_128 = %scan3A_84#8, %scan3A_129 = %scan3A_84#9, %scan3A_130 = %scan3A_84#10, %scan3A_131 = %scan3A_84#11, %scan3A_132 = %scan3A_84#12, %scan3A_133 = %scan3A_84#13, %scan3A_134 = %scan3A_84#14, %scan3A_135 = %scan3A_84#15) -> (vector<16xf32>, vector<16xf32>, vector<16xf32>, vector<16xf32>, vector<16xf32>, vector<16xf32>, vector<16xf32>, vector<16xf32>, vector<16xi32>, vector<16xi32>, vector<16xi32>, vector<16xi32>, vector<16xi32>, vector<16xi32>, vector<16xi32>, vector<16xi32>)  : i32 {
        %shift_right_logical3A = arith.constant 4 : i32
        %shift_right_logical3A_136 = arith.shrui %scan3A_119, %shift_right_logical3A : i32
        %and3A = arith.constant 15 : i32
        %and3A_137 = arith.andi %scan3A_119, %and3A : i32
        %shift_left3A = arith.constant 7 : i32
        %shift_left3A_138 = arith.shli %and3A_137, %shift_left3A : i32
        %multiple_of3A = tpu.assume_multiple %shift_left3A_138, 128 : i32
        %add3A_139 = arith.constant 0 : i32
        %add3A_140 = arith.addi %multiple_of3A, %add3A_139 : i32
        %get3A = arith.index_cast %shift_right_logical3A_136 : i32 to index
        %get3A_141 = arith.index_cast %add3A_140 : i32 to index
        %get3A_142 = tpu.vector_load %arg7[%get3A, %get3A_141] {strides = array<i32>} : memref<4x2048xf32, #tpu.memory_space<vmem>>, vector<16xf32>,
        %add3A_143 = arith.constant 0 : i32
        %add3A_144 = arith.addi %multiple_of3A, %add3A_143 : i32
        %get3A_145 = arith.index_cast %shift_right_logical3A_136 : i32 to index
        %get3A_146 = arith.index_cast %add3A_144 : i32 to index
        %get3A_147 = tpu.vector_load %arg9[%get3A_145, %get3A_146] {strides = array<i32>} : memref<4x2048xi32, #tpu.memory_space<vmem>>, vector<16xi32>,
        %bitcast_convert_type3A = tpu.bitcast %get3A_142 : vector<16xf32> -> vector<16xi32>
        %shift_right_logical3A_148 = arith.constant 15 : i32
        %shift_right_logical3A_149 = vector.broadcast %shift_right_logical3A_148 : i32 to vector<16xi32>
        %shift_right_logical3A_150 = arith.shrui %bitcast_convert_type3A, %shift_right_logical3A_149 : vector<16xi32>
        %gather3A = tpu.vector_load_idx %arg10[%shift_right_logical3A_150] : memref<32512xf32, #tpu.memory_space<vmem>>[vector<16xi32>], vector<16xf32>,
        %convert_element_type3A_151 = arith.sitofp %get3A_147 : vector<16xi32> to vector<16xf32>
        %mul3A_152 = arith.mulf %convert_element_type3A_151, %gather3A : vector<16xf32>
        %add3A_153 = arith.addf %scan3A_120, %mul3A_152 : vector<16xf32>
        %add3A_154 = arith.addi %scan3A_128, %get3A_147 : vector<16xi32>
        %add3A_155 = arith.constant 16 : i32
        %add3A_156 = arith.addi %multiple_of3A, %add3A_155 : i32
        %get3A_157 = arith.index_cast %shift_right_logical3A_136 : i32 to index
        %get3A_158 = arith.index_cast %add3A_156 : i32 to index
        %get3A_159 = tpu.vector_load %arg7[%get3A_157, %get3A_158] {strides = array<i32>} : memref<4x2048xf32, #tpu.memory_space<vmem>>, vector<16xf32>,
        %add3A_160 = arith.constant 16 : i32
        %add3A_161 = arith.addi %multiple_of3A, %add3A_160 : i32
        %get3A_162 = arith.index_cast %shift_right_logical3A_136 : i32 to index
        %get3A_163 = arith.index_cast %add3A_161 : i32 to index
        %get3A_164 = tpu.vector_load %arg9[%get3A_162, %get3A_163] {strides = array<i32>} : memref<4x2048xi32, #tpu.memory_space<vmem>>, vector<16xi32>,
        %bitcast_convert_type3A_165 = tpu.bitcast %get3A_159 : vector<16xf32> -> vector<16xi32>
        %shift_right_logical3A_166 = arith.constant 15 : i32
        %shift_right_logical3A_167 = vector.broadcast %shift_right_logical3A_166 : i32 to vector<16xi32>
        %shift_right_logical3A_168 = arith.shrui %bitcast_convert_type3A_165, %shift_right_logical3A_167 : vector<16xi32>
        %gather3A_169 = tpu.vector_load_idx %arg10[%shift_right_logical3A_168] : memref<32512xf32, #tpu.memory_space<vmem>>[vector<16xi32>], vector<16xf32>,
        %convert_element_type3A_170 = arith.sitofp %get3A_164 : vector<16xi32> to vector<16xf32>
        %mul3A_171 = arith.mulf %convert_element_type3A_170, %gather3A_169 : vector<16xf32>
        %add3A_172 = arith.addf %scan3A_121, %mul3A_171 : vector<16xf32>
        %add3A_173 = arith.addi %scan3A_129, %get3A_164 : vector<16xi32>
        %add3A_174 = arith.constant 32 : i32
        %add3A_175 = arith.addi %multiple_of3A, %add3A_174 : i32
        %get3A_176 = arith.index_cast %shift_right_logical3A_136 : i32 to index
        %get3A_177 = arith.index_cast %add3A_175 : i32 to index
        %get3A_178 = tpu.vector_load %arg7[%get3A_176, %get3A_177] {strides = array<i32>} : memref<4x2048xf32, #tpu.memory_space<vmem>>, vector<16xf32>,
        %add3A_179 = arith.constant 32 : i32
        %add3A_180 = arith.addi %multiple_of3A, %add3A_179 : i32
        %get3A_181 = arith.index_cast %shift_right_logical3A_136 : i32 to index
        %get3A_182 = arith.index_cast %add3A_180 : i32 to index
        %get3A_183 = tpu.vector_load %arg9[%get3A_181, %get3A_182] {strides = array<i32>} : memref<4x2048xi32, #tpu.memory_space<vmem>>, vector<16xi32>,
        %bitcast_convert_type3A_184 = tpu.bitcast %get3A_178 : vector<16xf32> -> vector<16xi32>
        %shift_right_logical3A_185 = arith.constant 15 : i32
        %shift_right_logical3A_186 = vector.broadcast %shift_right_logical3A_185 : i32 to vector<16xi32>
        %shift_right_logical3A_187 = arith.shrui %bitcast_convert_type3A_184, %shift_right_logical3A_186 : vector<16xi32>
        %gather3A_188 = tpu.vector_load_idx %arg10[%shift_right_logical3A_187] : memref<32512xf32, #tpu.memory_space<vmem>>[vector<16xi32>], vector<16xf32>,
        %convert_element_type3A_189 = arith.sitofp %get3A_183 : vector<16xi32> to vector<16xf32>
        %mul3A_190 = arith.mulf %convert_element_type3A_189, %gather3A_188 : vector<16xf32>
        %add3A_191 = arith.addf %scan3A_122, %mul3A_190 : vector<16xf32>
        %add3A_192 = arith.addi %scan3A_130, %get3A_183 : vector<16xi32>
        %add3A_193 = arith.constant 48 : i32
        %add3A_194 = arith.addi %multiple_of3A, %add3A_193 : i32
        %get3A_195 = arith.index_cast %shift_right_logical3A_136 : i32 to index
        %get3A_196 = arith.index_cast %add3A_194 : i32 to index
        %get3A_197 = tpu.vector_load %arg7[%get3A_195, %get3A_196] {strides = array<i32>} : memref<4x2048xf32, #tpu.memory_space<vmem>>, vector<16xf32>,
        %add3A_198 = arith.constant 48 : i32
        %add3A_199 = arith.addi %multiple_of3A, %add3A_198 : i32
        %get3A_200 = arith.index_cast %shift_right_logical3A_136 : i32 to index
        %get3A_201 = arith.index_cast %add3A_199 : i32 to index
        %get3A_202 = tpu.vector_load %arg9[%get3A_200, %get3A_201] {strides = array<i32>} : memref<4x2048xi32, #tpu.memory_space<vmem>>, vector<16xi32>,
        %bitcast_convert_type3A_203 = tpu.bitcast %get3A_197 : vector<16xf32> -> vector<16xi32>
        %shift_right_logical3A_204 = arith.constant 15 : i32
        %shift_right_logical3A_205 = vector.broadcast %shift_right_logical3A_204 : i32 to vector<16xi32>
        %shift_right_logical3A_206 = arith.shrui %bitcast_convert_type3A_203, %shift_right_logical3A_205 : vector<16xi32>
        %gather3A_207 = tpu.vector_load_idx %arg10[%shift_right_logical3A_206] : memref<32512xf32, #tpu.memory_space<vmem>>[vector<16xi32>], vector<16xf32>,
        %convert_element_type3A_208 = arith.sitofp %get3A_202 : vector<16xi32> to vector<16xf32>
        %mul3A_209 = arith.mulf %convert_element_type3A_208, %gather3A_207 : vector<16xf32>
        %add3A_210 = arith.addf %scan3A_123, %mul3A_209 : vector<16xf32>
        %add3A_211 = arith.addi %scan3A_131, %get3A_202 : vector<16xi32>
        %add3A_212 = arith.constant 64 : i32
        %add3A_213 = arith.addi %multiple_of3A, %add3A_212 : i32
        %get3A_214 = arith.index_cast %shift_right_logical3A_136 : i32 to index
        %get3A_215 = arith.index_cast %add3A_213 : i32 to index
        %get3A_216 = tpu.vector_load %arg7[%get3A_214, %get3A_215] {strides = array<i32>} : memref<4x2048xf32, #tpu.memory_space<vmem>>, vector<16xf32>,
        %add3A_217 = arith.constant 64 : i32
        %add3A_218 = arith.addi %multiple_of3A, %add3A_217 : i32
        %get3A_219 = arith.index_cast %shift_right_logical3A_136 : i32 to index
        %get3A_220 = arith.index_cast %add3A_218 : i32 to index
        %get3A_221 = tpu.vector_load %arg9[%get3A_219, %get3A_220] {strides = array<i32>} : memref<4x2048xi32, #tpu.memory_space<vmem>>, vector<16xi32>,
        %bitcast_convert_type3A_222 = tpu.bitcast %get3A_216 : vector<16xf32> -> vector<16xi32>
        %shift_right_logical3A_223 = arith.constant 15 : i32
        %shift_right_logical3A_224 = vector.broadcast %shift_right_logical3A_223 : i32 to vector<16xi32>
        %shift_right_logical3A_225 = arith.shrui %bitcast_convert_type3A_222, %shift_right_logical3A_224 : vector<16xi32>
        %gather3A_226 = tpu.vector_load_idx %arg10[%shift_right_logical3A_225] : memref<32512xf32, #tpu.memory_space<vmem>>[vector<16xi32>], vector<16xf32>,
        %convert_element_type3A_227 = arith.sitofp %get3A_221 : vector<16xi32> to vector<16xf32>
        %mul3A_228 = arith.mulf %convert_element_type3A_227, %gather3A_226 : vector<16xf32>
        %add3A_229 = arith.addf %scan3A_124, %mul3A_228 : vector<16xf32>
        %add3A_230 = arith.addi %scan3A_132, %get3A_221 : vector<16xi32>
        %add3A_231 = arith.constant 80 : i32
        %add3A_232 = arith.addi %multiple_of3A, %add3A_231 : i32
        %get3A_233 = arith.index_cast %shift_right_logical3A_136 : i32 to index
        %get3A_234 = arith.index_cast %add3A_232 : i32 to index
        %get3A_235 = tpu.vector_load %arg7[%get3A_233, %get3A_234] {strides = array<i32>} : memref<4x2048xf32, #tpu.memory_space<vmem>>, vector<16xf32>,
        %add3A_236 = arith.constant 80 : i32
        %add3A_237 = arith.addi %multiple_of3A, %add3A_236 : i32
        %get3A_238 = arith.index_cast %shift_right_logical3A_136 : i32 to index
        %get3A_239 = arith.index_cast %add3A_237 : i32 to index
        %get3A_240 = tpu.vector_load %arg9[%get3A_238, %get3A_239] {strides = array<i32>} : memref<4x2048xi32, #tpu.memory_space<vmem>>, vector<16xi32>,
        %bitcast_convert_type3A_241 = tpu.bitcast %get3A_235 : vector<16xf32> -> vector<16xi32>
        %shift_right_logical3A_242 = arith.constant 15 : i32
        %shift_right_logical3A_243 = vector.broadcast %shift_right_logical3A_242 : i32 to vector<16xi32>
        %shift_right_logical3A_244 = arith.shrui %bitcast_convert_type3A_241, %shift_right_logical3A_243 : vector<16xi32>
        %gather3A_245 = tpu.vector_load_idx %arg10[%shift_right_logical3A_244] : memref<32512xf32, #tpu.memory_space<vmem>>[vector<16xi32>], vector<16xf32>,
        %convert_element_type3A_246 = arith.sitofp %get3A_240 : vector<16xi32> to vector<16xf32>
        %mul3A_247 = arith.mulf %convert_element_type3A_246, %gather3A_245 : vector<16xf32>
        %add3A_248 = arith.addf %scan3A_125, %mul3A_247 : vector<16xf32>
        %add3A_249 = arith.addi %scan3A_133, %get3A_240 : vector<16xi32>
        %add3A_250 = arith.constant 96 : i32
        %add3A_251 = arith.addi %multiple_of3A, %add3A_250 : i32
        %get3A_252 = arith.index_cast %shift_right_logical3A_136 : i32 to index
        %get3A_253 = arith.index_cast %add3A_251 : i32 to index
        %get3A_254 = tpu.vector_load %arg7[%get3A_252, %get3A_253] {strides = array<i32>} : memref<4x2048xf32, #tpu.memory_space<vmem>>, vector<16xf32>,
        %add3A_255 = arith.constant 96 : i32
        %add3A_256 = arith.addi %multiple_of3A, %add3A_255 : i32
        %get3A_257 = arith.index_cast %shift_right_logical3A_136 : i32 to index
        %get3A_258 = arith.index_cast %add3A_256 : i32 to index
        %get3A_259 = tpu.vector_load %arg9[%get3A_257, %get3A_258] {strides = array<i32>} : memref<4x2048xi32, #tpu.memory_space<vmem>>, vector<16xi32>,
        %bitcast_convert_type3A_260 = tpu.bitcast %get3A_254 : vector<16xf32> -> vector<16xi32>
        %shift_right_logical3A_261 = arith.constant 15 : i32
        %shift_right_logical3A_262 = vector.broadcast %shift_right_logical3A_261 : i32 to vector<16xi32>
        %shift_right_logical3A_263 = arith.shrui %bitcast_convert_type3A_260, %shift_right_logical3A_262 : vector<16xi32>
        %gather3A_264 = tpu.vector_load_idx %arg10[%shift_right_logical3A_263] : memref<32512xf32, #tpu.memory_space<vmem>>[vector<16xi32>], vector<16xf32>,
        %convert_element_type3A_265 = arith.sitofp %get3A_259 : vector<16xi32> to vector<16xf32>
        %mul3A_266 = arith.mulf %convert_element_type3A_265, %gather3A_264 : vector<16xf32>
        %add3A_267 = arith.addf %scan3A_126, %mul3A_266 : vector<16xf32>
        %add3A_268 = arith.addi %scan3A_134, %get3A_259 : vector<16xi32>
        %add3A_269 = arith.constant 112 : i32
        %add3A_270 = arith.addi %multiple_of3A, %add3A_269 : i32
        %get3A_271 = arith.index_cast %shift_right_logical3A_136 : i32 to index
        %get3A_272 = arith.index_cast %add3A_270 : i32 to index
        %get3A_273 = tpu.vector_load %arg7[%get3A_271, %get3A_272] {strides = array<i32>} : memref<4x2048xf32, #tpu.memory_space<vmem>>, vector<16xf32>,
        %add3A_274 = arith.constant 112 : i32
        %add3A_275 = arith.addi %multiple_of3A, %add3A_274 : i32
        %get3A_276 = arith.index_cast %shift_right_logical3A_136 : i32 to index
        %get3A_277 = arith.index_cast %add3A_275 : i32 to index
        %get3A_278 = tpu.vector_load %arg9[%get3A_276, %get3A_277] {strides = array<i32>} : memref<4x2048xi32, #tpu.memory_space<vmem>>, vector<16xi32>,
        %bitcast_convert_type3A_279 = tpu.bitcast %get3A_273 : vector<16xf32> -> vector<16xi32>
        %shift_right_logical3A_280 = arith.constant 15 : i32
        %shift_right_logical3A_281 = vector.broadcast %shift_right_logical3A_280 : i32 to vector<16xi32>
        %shift_right_logical3A_282 = arith.shrui %bitcast_convert_type3A_279, %shift_right_logical3A_281 : vector<16xi32>
        %gather3A_283 = tpu.vector_load_idx %arg10[%shift_right_logical3A_282] : memref<32512xf32, #tpu.memory_space<vmem>>[vector<16xi32>], vector<16xf32>,
        %convert_element_type3A_284 = arith.sitofp %get3A_278 : vector<16xi32> to vector<16xf32>
        %mul3A_285 = arith.mulf %convert_element_type3A_284, %gather3A_283 : vector<16xf32>
        %add3A_286 = arith.addf %scan3A_127, %mul3A_285 : vector<16xf32>
        %add3A_287 = arith.addi %scan3A_135, %get3A_278 : vector<16xi32>
        scf.yield %add3A_153, %add3A_172, %add3A_191, %add3A_210, %add3A_229, %add3A_248, %add3A_267, %add3A_286, %add3A_154, %add3A_173, %add3A_192, %add3A_211, %add3A_230, %add3A_249, %add3A_268, %add3A_287 : vector<16xf32>, vector<16xf32>, vector<16xf32>, vector<16xf32>, vector<16xf32>, vector<16xf32>, vector<16xf32>, vector<16xf32>, vector<16xi32>, vector<16xi32>, vector<16xi32>, vector<16xi32>, vector<16xi32>, vector<16xi32>, vector<16xi32>, vector<16xi32>
      }
      %scan3A_111 = arith.constant 64 : i32
      %add3A_112 = arith.constant 2 : i32
      %add3A_113 = arith.addi %add3A_94, %add3A_112 : i32
      %lt3A_114 = arith.constant 10 : i32
      %lt3A_115 = arith.cmpi slt, %add3A_113, %lt3A_114 : i32
      %convert_element_type3A_116 = arith.extui %lt3A_115 : i1 to i32
      %cond3A_117 = arith.constant 0 : i32
      %cond3A_118 = arith.cmpi ne, %convert_element_type3A_116, %cond3A_117 : i32
      scf.if %cond3A_118 {
        %add3A_119 = arith.constant 2 : i32
        %add3A_120 = arith.addi %add3A_94, %add3A_119 : i32
        %mul3A_121 = arith.constant 4 : i32
        %mul3A_122 = arith.muli %add3A_120, %mul3A_121 : i32
        %add3A_123 = arith.addi %mul3A_2, %mul3A_122 : i32
        %dma_start3A_124 = arith.constant 0 : i32
        %dma_start3A_125 = tpu.memref_slice %arg3[%add3A_123, %dma_start3A_124] : memref<4096x2048xf32, #tpu.memory_space<hbm>> -> memref<4x2048xf32, #tpu.memory_space<hbm>>
        %dma_start3A_126 = arith.constant 0 : i32
        %dma_start3A_127 = tpu.memref_slice %arg3[%add3A_123, %dma_start3A_126] : memref<4096x2048xf32, #tpu.memory_space<hbm>> -> memref<4x2048xf32, #tpu.memory_space<hbm>>
        tpu.enqueue_dma source(%dma_start3A_127 : memref<4x2048xf32, #tpu.memory_space<hbm>>) target(%arg7 : memref<4x2048xf32, #tpu.memory_space<vmem>>) target_semaphore(%arg14 : memref<!tpu.dma_semaphore, #tpu.memory_space<semaphore_mem>>)
        %dma_start3A_128 = arith.constant 0 : i32
        %dma_start3A_129 = tpu.memref_slice %arg2[%add3A_123, %dma_start3A_128] : memref<4096x2048xi32, #tpu.memory_space<hbm>> -> memref<4x2048xi32, #tpu.memory_space<hbm>>
        %dma_start3A_130 = arith.constant 0 : i32
        %dma_start3A_131 = tpu.memref_slice %arg2[%add3A_123, %dma_start3A_130] : memref<4096x2048xi32, #tpu.memory_space<hbm>> -> memref<4x2048xi32, #tpu.memory_space<hbm>>
        tpu.enqueue_dma source(%dma_start3A_131 : memref<4x2048xi32, #tpu.memory_space<hbm>>) target(%arg9 : memref<4x2048xi32, #tpu.memory_space<vmem>>) target_semaphore(%arg14 : memref<!tpu.dma_semaphore, #tpu.memory_space<semaphore_mem>>)
      } else {
      }
      scf.yield %scan3A_110#0, %scan3A_110#1, %scan3A_110#2, %scan3A_110#3, %scan3A_110#4, %scan3A_110#5, %scan3A_110#6, %scan3A_110#7, %scan3A_110#8, %scan3A_110#9, %scan3A_110#10, %scan3A_110#11, %scan3A_110#12, %scan3A_110#13, %scan3A_110#14, %scan3A_110#15 : vector<16xf32>, vector<16xf32>, vector<16xf32>, vector<16xf32>, vector<16xf32>, vector<16xf32>, vector<16xf32>, vector<16xf32>, vector<16xi32>, vector<16xi32>, vector<16xi32>, vector<16xi32>, vector<16xi32>, vector<16xi32>, vector<16xi32>, vector<16xi32>
    }
    %scan3A_29 = arith.constant 5 : i32
    %add3A_30 = arith.addf %scan3A_28#0, %scan3A_28#1 : vector<16xf32>
    %add3A_31 = arith.addi %scan3A_28#8, %scan3A_28#9 : vector<16xi32>
    %add3A_32 = arith.addf %add3A_30, %scan3A_28#2 : vector<16xf32>
    %add3A_33 = arith.addi %add3A_31, %scan3A_28#10 : vector<16xi32>
    %add3A_34 = arith.addf %add3A_32, %scan3A_28#3 : vector<16xf32>
    %add3A_35 = arith.addi %add3A_33, %scan3A_28#11 : vector<16xi32>
    %add3A_36 = arith.addf %add3A_34, %scan3A_28#4 : vector<16xf32>
    %add3A_37 = arith.addi %add3A_35, %scan3A_28#12 : vector<16xi32>
    %add3A_38 = arith.addf %add3A_36, %scan3A_28#5 : vector<16xf32>
    %add3A_39 = arith.addi %add3A_37, %scan3A_28#13 : vector<16xi32>
    %add3A_40 = arith.addf %add3A_38, %scan3A_28#6 : vector<16xf32>
    %add3A_41 = arith.addi %add3A_39, %scan3A_28#14 : vector<16xi32>
    %add3A_42 = arith.addf %add3A_40, %scan3A_28#7 : vector<16xf32>
    %add3A_43 = arith.addi %add3A_41, %scan3A_28#15 : vector<16xi32>
    %swap3A = arith.constant 0 : index
    %swap3A_44 = tpu.vector_load %arg11[%swap3A] {strides = array<i32>} : memref<16xf32, #tpu.memory_space<vmem>>, vector<16xf32>,
    tpu.vector_store %arg11[%swap3A], %add3A_42 {strides = array<i32>} : memref<16xf32, #tpu.memory_space<vmem>>, vector<16xf32>,
    %convert_element_type3A = arith.sitofp %add3A_43 : vector<16xi32> to vector<16xf32>
    %swap3A_45 = arith.constant 0 : index
    %swap3A_46 = tpu.vector_load %arg12[%swap3A_45] {strides = array<i32>} : memref<16xf32, #tpu.memory_space<vmem>>, vector<16xf32>,
    tpu.vector_store %arg12[%swap3A_45], %convert_element_type3A {strides = array<i32>} : memref<16xf32, #tpu.memory_space<vmem>>, vector<16xf32>,
    "tpu.region"() ({
      %run_scoped3A = tpu.sem_alloc : memref<!tpu.dma_semaphore, #tpu.memory_space<semaphore_mem>>
      %dma_start3A_49 = arith.constant 0 : i32
      %dma_start3A_50 = tpu.memref_slice %arg5[%add3A, %dma_start3A_49] : memref<64x16xf32, #tpu.memory_space<hbm>> -> memref<1x16xf32, #tpu.memory_space<hbm>>
      %dma_start3A_51 = tpu.memref_squeeze %dma_start3A_50 : memref<1x16xf32, #tpu.memory_space<hbm>> -> memref<16xf32, #tpu.memory_space<hbm>>
      %dma_start3A_52 = arith.constant 0 : i32
      %dma_start3A_53 = tpu.memref_slice %arg5[%add3A, %dma_start3A_52] : memref<64x16xf32, #tpu.memory_space<hbm>> -> memref<1x16xf32, #tpu.memory_space<hbm>>
      %dma_start3A_54 = tpu.memref_squeeze %dma_start3A_53 : memref<1x16xf32, #tpu.memory_space<hbm>> -> memref<16xf32, #tpu.memory_space<hbm>>
      tpu.enqueue_dma source(%arg11 : memref<16xf32, #tpu.memory_space<vmem>>) target(%dma_start3A_54 : memref<16xf32, #tpu.memory_space<hbm>>) target_semaphore(%run_scoped3A : memref<!tpu.dma_semaphore, #tpu.memory_space<semaphore_mem>>)
      %dma_wait3A = arith.constant 0 : i32
      %dma_wait3A_55 = tpu.memref_slice %arg5[%add3A, %dma_wait3A] : memref<64x16xf32, #tpu.memory_space<hbm>> -> memref<1x16xf32, #tpu.memory_space<hbm>>
      %dma_wait3A_56 = tpu.memref_squeeze %dma_wait3A_55 : memref<1x16xf32, #tpu.memory_space<hbm>> -> memref<16xf32, #tpu.memory_space<hbm>>
      %dma_wait3A_57 = arith.constant 0 : i32
      %dma_wait3A_58 = tpu.memref_slice %arg5[%add3A, %dma_wait3A_57] : memref<64x16xf32, #tpu.memory_space<hbm>> -> memref<1x16xf32, #tpu.memory_space<hbm>>
      %dma_wait3A_59 = tpu.memref_squeeze %dma_wait3A_58 : memref<1x16xf32, #tpu.memory_space<hbm>> -> memref<16xf32, #tpu.memory_space<hbm>>
      tpu.wait_dma2 semaphore(%run_scoped3A : memref<!tpu.dma_semaphore, #tpu.memory_space<semaphore_mem>>) src(%arg11 : memref<16xf32, #tpu.memory_space<vmem>>) dst(%dma_wait3A_59 : memref<16xf32, #tpu.memory_space<hbm>>)
      tpu.yield
    }) : () -> ()
    %add3A_47 = arith.constant 32 : i32
    %add3A_48 = arith.addi %add3A_47, %add3A : i32
    "tpu.region"() ({
      %run_scoped3A = tpu.sem_alloc : memref<!tpu.dma_semaphore, #tpu.memory_space<semaphore_mem>>
      %dma_start3A_49 = arith.constant 0 : i32
      %dma_start3A_50 = tpu.memref_slice %arg5[%add3A_48, %dma_start3A_49] : memref<64x16xf32, #tpu.memory_space<hbm>> -> memref<1x16xf32, #tpu.memory_space<hbm>>
      %dma_start3A_51 = tpu.memref_squeeze %dma_start3A_50 : memref<1x16xf32, #tpu.memory_space<hbm>> -> memref<16xf32, #tpu.memory_space<hbm>>
      %dma_start3A_52 = arith.constant 0 : i32
      %dma_start3A_53 = tpu.memref_slice %arg5[%add3A_48, %dma_start3A_52] : memref<64x16xf32, #tpu.memory_space<hbm>> -> memref<1x16xf32, #tpu.memory_space<hbm>>
      %dma_start3A_54 = tpu.memref_squeeze %dma_start3A_53 : memref<1x16xf32, #tpu.memory_space<hbm>> -> memref<16xf32, #tpu.memory_space<hbm>>
      tpu.enqueue_dma source(%arg12 : memref<16xf32, #tpu.memory_space<vmem>>) target(%dma_start3A_54 : memref<16xf32, #tpu.memory_space<hbm>>) target_semaphore(%run_scoped3A : memref<!tpu.dma_semaphore, #tpu.memory_space<semaphore_mem>>)
      %dma_wait3A = arith.constant 0 : i32
      %dma_wait3A_55 = tpu.memref_slice %arg5[%add3A_48, %dma_wait3A] : memref<64x16xf32, #tpu.memory_space<hbm>> -> memref<1x16xf32, #tpu.memory_space<hbm>>
      %dma_wait3A_56 = tpu.memref_squeeze %dma_wait3A_55 : memref<1x16xf32, #tpu.memory_space<hbm>> -> memref<16xf32, #tpu.memory_space<hbm>>
      %dma_wait3A_57 = arith.constant 0 : i32
      %dma_wait3A_58 = tpu.memref_slice %arg5[%add3A_48, %dma_wait3A_57] : memref<64x16xf32, #tpu.memory_space<hbm>> -> memref<1x16xf32, #tpu.memory_space<hbm>>
      %dma_wait3A_59 = tpu.memref_squeeze %dma_wait3A_58 : memref<1x16xf32, #tpu.memory_space<hbm>> -> memref<16xf32, #tpu.memory_space<hbm>>
      tpu.wait_dma2 semaphore(%run_scoped3A : memref<!tpu.dma_semaphore, #tpu.memory_space<semaphore_mem>>) src(%arg12 : memref<16xf32, #tpu.memory_space<vmem>>) dst(%dma_wait3A_59 : memref<16xf32, #tpu.memory_space<hbm>>)
      tpu.yield
    }) : () -> ()
    return
  }
}

module attributes {stable_mosaic.version = 14 : i64} {
  func.func @_tc_body(%arg0: i32, %arg1: memref<256x2048xi32, #tpu.memory_space<vmem>>, %arg2: memref<256x2048xf32, #tpu.memory_space<vmem>>, %arg3: memref<1x1xf32, #tpu.memory_space<smem>>, %arg4: memref<1x1xf32, #tpu.memory_space<smem>>) attributes {dimension_semantics = [#tpu.dimension_semantics<arbitrary>], iteration_bounds = array<i64: 11>, scalar_prefetch = 0 : i64, scratch_operands = 0 : i64, tpu.core_type = #tpu.core_type<tc>, window_params = [{transform_indices = @transform_0, window_bounds = array<i64: 256, 2048>}, {transform_indices = @transform_1, window_bounds = array<i64: 256, 2048>}, {transform_indices = @transform_2, window_bounds = array<i64: 1, 1>}, {transform_indices = @transform_3, window_bounds = array<i64: 1, 1>}]} {
    %eq3A = arith.constant 0 : i32
    %eq3A_0 = arith.cmpi eq, %arg0, %eq3A : i32
    %convert_element_type3A = arith.extui %eq3A_0 : i1 to i32
    %cond3A = arith.constant 0 : i32
    %cond3A_1 = arith.cmpi ne, %convert_element_type3A, %cond3A : i32
    scf.if %cond3A_1 {
      %swap3A_34 = arith.constant 0.000000e+00 : f32
      %swap3A_35 = arith.constant 0 : index
      %swap3A_36 = arith.constant 0 : index
      %swap3A_37 = memref.load %arg3[%swap3A_35, %swap3A_36] : memref<1x1xf32, #tpu.memory_space<smem>>
      memref.store %swap3A_34, %arg3[%swap3A_35, %swap3A_36] : memref<1x1xf32, #tpu.memory_space<smem>>
      %swap3A_38 = arith.constant 0.000000e+00 : f32
      %swap3A_39 = arith.constant 0 : index
      %swap3A_40 = arith.constant 0 : index
      %swap3A_41 = memref.load %arg4[%swap3A_39, %swap3A_40] : memref<1x1xf32, #tpu.memory_space<smem>>
      memref.store %swap3A_38, %arg4[%swap3A_39, %swap3A_40] : memref<1x1xf32, #tpu.memory_space<smem>>
    } else {
    }
    %get3A = arith.constant 0 : index
    %get3A_2 = arith.constant 0 : index
    %get3A_3 = vector.load %arg1[%get3A, %get3A_2] : memref<256x2048xi32, #tpu.memory_space<vmem>>, vector<256x2048xi32>
    %get3A_4 = arith.constant 0 : index
    %get3A_5 = arith.constant 0 : index
    %get3A_6 = vector.load %arg2[%get3A_4, %get3A_5] : memref<256x2048xf32, #tpu.memory_space<vmem>>, vector<256x2048xf32>
    %max3A = arith.constant 9.99999996E-13 : f32
    %max3A_7 = vector.broadcast %max3A : f32 to vector<256x2048xf32>
    %max3A_8 = arith.maximumf %get3A_6, %max3A_7 : vector<256x2048xf32>
    %log3A = math.log %max3A_8 : vector<256x2048xf32>
    %eq3A_9 = arith.constant 1 : i32
    %eq3A_10 = vector.broadcast %eq3A_9 : i32 to vector<256x2048xi32>
    %eq3A_11 = arith.cmpi eq, %get3A_3, %eq3A_10 : vector<256x2048xi32>
    %jit3A = arith.constant 0.000000e+00 : f32
    %broadcast_in_dim3A = vector.broadcast %jit3A : f32 to vector<256x2048xf32>
    %select_n3A = arith.select %eq3A_11, %log3A, %broadcast_in_dim3A : vector<256x2048xi1>, vector<256x2048xf32>
    %get3A_12 = arith.constant 0 : index
    %get3A_13 = arith.constant 0 : index
    %get3A_14 = memref.load %arg3[%get3A_12, %get3A_13] : memref<1x1xf32, #tpu.memory_space<smem>>
    %reduce_sum3A = vector.shape_cast %select_n3A : vector<256x2048xf32> to vector<1x256x2048xf32>
    %reduce_sum3A_15 = arith.constant dense<0.000000e+00> : vector<1xf32>
    %reduce_sum3A_16 = vector.multi_reduction <add>, %reduce_sum3A, %reduce_sum3A_15 [1, 2] : vector<1x256x2048xf32> to vector<1xf32>
    %reduce_sum3A_17 = vector.shape_cast %reduce_sum3A_16 : vector<1xf32> to vector<1x1x1xf32>
    %reduce_sum3A_18 = vector.extract %reduce_sum3A_17[0, 0, 0] : f32 from vector<1x1x1xf32>
    %add3A = arith.addf %get3A_14, %reduce_sum3A_18 : f32
    %swap3A = arith.constant 0 : index
    %swap3A_19 = arith.constant 0 : index
    %swap3A_20 = memref.load %arg3[%swap3A, %swap3A_19] : memref<1x1xf32, #tpu.memory_space<smem>>
    memref.store %add3A, %arg3[%swap3A, %swap3A_19] : memref<1x1xf32, #tpu.memory_space<smem>>
    %get3A_21 = arith.constant 0 : index
    %get3A_22 = arith.constant 0 : index
    %get3A_23 = memref.load %arg4[%get3A_21, %get3A_22] : memref<1x1xf32, #tpu.memory_space<smem>>
    %convert_element_type3A_24 = arith.sitofp %get3A_3 : vector<256x2048xi32> to vector<256x2048xf32>
    %reduce_sum3A_25 = vector.shape_cast %convert_element_type3A_24 : vector<256x2048xf32> to vector<1x256x2048xf32>
    %reduce_sum3A_26 = arith.constant dense<0.000000e+00> : vector<1xf32>
    %reduce_sum3A_27 = vector.multi_reduction <add>, %reduce_sum3A_25, %reduce_sum3A_26 [1, 2] : vector<1x256x2048xf32> to vector<1xf32>
    %reduce_sum3A_28 = vector.shape_cast %reduce_sum3A_27 : vector<1xf32> to vector<1x1x1xf32>
    %reduce_sum3A_29 = vector.extract %reduce_sum3A_28[0, 0, 0] : f32 from vector<1x1x1xf32>
    %add3A_30 = arith.addf %get3A_23, %reduce_sum3A_29 : f32
    %swap3A_31 = arith.constant 0 : index
    %swap3A_32 = arith.constant 0 : index
    %swap3A_33 = memref.load %arg4[%swap3A_31, %swap3A_32] : memref<1x1xf32, #tpu.memory_space<smem>>
    memref.store %add3A_30, %arg4[%swap3A_31, %swap3A_32] : memref<1x1xf32, #tpu.memory_space<smem>>
    return
  }
  func.func @transform_0(%arg0: i32) -> (i32, i32) {
    %add3A = arith.constant 5 : i32
    %add3A_0 = arith.addi %arg0, %add3A : i32
    %c0_i32 = arith.constant 0 : i32
    %c0_i32_1 = arith.constant 0 : i32
    return %add3A_0, %c0_i32 : i32, i32
  }
  func.func @transform_1(%arg0: i32) -> (i32, i32) {
    %add3A = arith.constant 5 : i32
    %add3A_0 = arith.addi %arg0, %add3A : i32
    %c0_i32 = arith.constant 0 : i32
    %c0_i32_1 = arith.constant 0 : i32
    return %add3A_0, %c0_i32 : i32, i32
  }
  func.func @transform_2(%arg0: i32) -> (i32, i32) {
    %c0_i32 = arith.constant 0 : i32
    %c0_i32_0 = arith.constant 0 : i32
    %c0_i32_1 = arith.constant 0 : i32
    return %c0_i32, %c0_i32_0 : i32, i32
  }
  func.func @transform_3(%arg0: i32) -> (i32, i32) {
    %c0_i32 = arith.constant 0 : i32
    %c0_i32_0 = arith.constant 0 : i32
    %c0_i32_1 = arith.constant 0 : i32
    return %c0_i32, %c0_i32_0 : i32, i32
  }
}

</mosaic_0001>

<sc_bundles>
// kernel: kernel.4.cloned.1.call-start
scs
__scs_entry_jumppad:
0x0: {  	(pc) =	sbr.rel $0x88, $3  }
0x1: {  	(tag) =	ssettag $0x0;
	lr =	simm.s32 $0x1  }
0x2: {  	[smem:$0x3F9F] =	sst lr;
	_ =	strace $0xD0000000  }
0x3: {  	_ = 	snop  }
0x4: {  	_ = 	snop  }
0x5: {  	_ = 	snop  }
0x6: {  	_ = 	snop  }
0x7: {  	_ = 	snop  }
__scs_overlays_trampoline_lowered:
0x8: {  	[smem:$0x3FAE] =	sst s0  }
0x9: {  	[smem:$0x3FAF] =	sst s1  }
0xa: {  	[smem:$0x3FB0] =	sst s2  }
0xb: {  	[smem:$0x3FB1] =	sst s3  }
0xc: {  	[smem:$0x3FB2] =	sst s4  }
0xd: {  	[smem:$0x3FB3] =	sst s5  }
0xe: {  	[smem:$0x3FB4] =	sst s6  }
0xf: {  	[smem:$0x3FB5] =	sst s7  }
0x10: {  	[smem:$0x3FB6] =	sst s8  }
0x11: {  	[smem:$0x3FB7] =	sst s9;
	s0 =	simm.s32 @!p0 $0x0  }
0x12: {  	s1 =	sld [smem:$0x3F9D];
	s0 =	simm.s32 @p0 $0x1  }
0x13: {  	[smem:$0x3FB8] =	sst s0;
	s0 =	simm.s32 @!p1 $0x0  }
0x14: {  	s2 =	sld [smem:$0x3F9C];
	s0 =	simm.s32 @p1 $0x1  }
0x15: {  	[smem:$0x3FB9] =	sst s0;
	s0 =	simm.s32 @!p2 $0x0  }
0x16: {  	s3 =	sld [smem:$0x3FDB];
	s0 =	simm.s32 @p2 $0x1  }
0x17: {  	s4 =	simm.s32 $0x1BF5;
	[smem:$0x3FBB] =	sst s0  }
0x18: {  	s0 =	sld [smem:$0x3F9E];
	_ =	swait.ge [sflag:s4], $0x0  }
0x19: {  	s7 =	sld [smem:$0x3F9F]  }
0x1a: {  	s8 =	sadd.s32 $0xFFFFE003, lr  }
0x1b: {  	s9 =	sadd.s32 $0xFFFFFEF7, lr;
	s5 =	simm.s32 $0xFFFFFFFF;
	p2 =	slt.u32 s8, $0xFFFFF086  }
0x1c: {  	p1 =	slt.u32 s9, $0xF7A;
	s5 =	simm.s32 @!p2 $0x0  }
0x1d: {  	s5 =	simm.s32 @p1 $0x1;
	p0 =	seq.s32 s7, s2  }
0x1e: {  	s7 =	smul.u32 @!p0 $0xF7A, s2;
	p2 =	seq.s32 @!p0 s5, $0x0  }
0x1f: {  	s9 =	smul.u32 $0xF7A, s1;
	s8 =	simm.s32 @!p0 $0x1BF5;
	p2 =	por !p2, p0  }
0x20: {  	[sflag:s8] =	ssyncset.s32 @!p0 $0xFFFFF086;
	s6 =	sadd.s32 @!p0 s3, s7;
	s7 =	simm.s32 @!p0 $0x108  }
0x21: {  	s3 =	sadd.s32 s3, s9;
	s6 =	sadd.s32 @!p0 $0x88, s6;
	s7 =	simm.s32 @p2 $0x1082  }
0x22: {  	[simem:s7], [sflag:s8] =	dma.local @!p0 [hbm:s6], $0xF7A  }
0x23: {  	s9 =	sor.u32 $0xD0000000, s2;
	s6 =	simm.s32 $0x108;
	_ =	swait.ge @!p0 [sflag:s8], $0x0  }
0x24: {  	s3 =	sadd.s32 $0x88, s3;
	s6 =	simm.s32 @!p1 $0x1082;
	[sflag:s4] =	ssyncset.s32 $0xFFFFF086  }
0x25: {  	[simem:s6], [sflag:s4] =	dma.local [hbm:s3], $0xF7A  }
0x26: {  	[smem:$0x3F9F] =	sst s1;
	(tag) =	ssettag s2;
	_ =	strace s9  }
0x27: {  	s1 =	sld [smem:$0x3FAF]  }
0x28: {  	s2 =	sld [smem:$0x3FB0]  }
0x29: {  	s4 =	sld [smem:$0x3FB2]  }
0x2a: {  	p0 =	seq.s32 s5, $0x0;
	s5 =	sld [smem:$0x3FB3]  }
0x2b: {  	s6 =	sld [smem:$0x3FB4]  }
0x2c: {  	s7 =	sld [smem:$0x3FB5]  }
0x2d: {  	s3 =	simm.s32 $0x108;
	s8 =	sld [smem:$0x3FB6]  }
0x2e: {  	s3 =	simm.s32 @!p0 $0x1082;
	s9 =	sld [smem:$0x3FB7]  }
0x2f: {  	lr =	sadd.s32 s0, s3;
	s0 =	sld [smem:$0x3FAE]  }
0x30: {  	s3 =	sld [smem:$0x3FB1]  }
0x31: {  	[smem:$0x3FBA] =	sst s10  }
0x32: {  	s10 =	sld [smem:$0x3FB8];
	_ =	sdelay $0x3  }
0x33: {  	p0 =	seq.s32 s10, $0x1;
	s10 =	sld [smem:$0x3FBA];
	_ =	sdelay $0x3  }
0x34: {  	[smem:$0x3FBA] =	sst s10  }
0x35: {  	s10 =	sld [smem:$0x3FB9];
	_ =	sdelay $0x3  }
0x36: {  	p1 =	seq.s32 s10, $0x1;
	s10 =	sld [smem:$0x3FBA];
	_ =	sdelay $0x3  }
0x37: {  	[smem:$0x3FBA] =	sst s10  }
0x38: {  	s10 =	sld [smem:$0x3FBB]  }
0x39: {  	_ = 	snop;
	(pc) =	sbr.ind lr, $3  }
0x3a: {  	_ = 	snop  }
0x3b: {  	_ = 	snop  }
0x3c: {  	p2 =	seq.s32 s10, $0x1;
	s10 =	sld [smem:$0x3FBA]  }
0x3d: {  	_ =	shalt  }
0x3e: {  	_ =	shalt  }
0x3f: {  	_ =	shalt  }
0x40: {  	_ =	shalt  }
0x41: {  	_ =	shalt  }
0x42: {  	_ =	shalt  }
0x43: {  	_ =	shalt  }
0x44: {  	_ =	shalt  }
0x45: {  	_ =	shalt  }
0x46: {  	_ =	shalt  }
0x47: {  	_ =	shalt  }
0x48: {  	_ =	shalt  }
0x49: {  	_ =	shalt  }
0x4a: {  	_ =	shalt  }
0x4b: {  	_ =	shalt  }
0x4c: {  	_ =	shalt  }
0x4d: {  	_ =	shalt  }
0x4e: {  	_ =	shalt  }
0x4f: {  	_ =	shalt  }
0x50: {  	_ =	shalt  }
0x51: {  	_ =	shalt  }
0x52: {  	_ =	shalt  }
0x53: {  	_ =	shalt  }
0x54: {  	_ =	shalt  }
0x55: {  	_ =	shalt  }
0x56: {  	_ =	shalt  }
0x57: {  	_ =	shalt  }
0x58: {  	_ =	shalt  }
0x59: {  	_ =	shalt  }
0x5a: {  	_ =	shalt  }
0x5b: {  	_ =	shalt  }
0x5c: {  	_ =	shalt  }
0x5d: {  	_ =	shalt  }
0x5e: {  	_ =	shalt  }
0x5f: {  	_ =	shalt  }
0x60: {  	_ =	shalt  }
0x61: {  	_ =	shalt  }
0x62: {  	_ =	shalt  }
0x63: {  	_ =	shalt  }
0x64: {  	_ =	shalt  }
0x65: {  	_ =	shalt  }
0x66: {  	_ =	shalt  }
0x67: {  	_ =	shalt  }
0x68: {  	_ =	shalt  }
0x69: {  	_ =	shalt  }
0x6a: {  	_ =	shalt  }
0x6b: {  	_ =	shalt  }
0x6c: {  	_ =	shalt  }
0x6d: {  	_ =	shalt  }
0x6e: {  	_ =	shalt  }
0x6f: {  	_ =	shalt  }
0x70: {  	_ =	shalt  }
0x71: {  	_ =	shalt  }
0x72: {  	_ =	shalt  }
0x73: {  	_ =	shalt  }
0x74: {  	_ =	shalt  }
0x75: {  	_ =	shalt  }
0x76: {  	_ =	shalt  }
0x77: {  	_ =	shalt  }
0x78: {  	_ =	shalt  }
0x79: {  	_ =	shalt  }
0x7a: {  	_ =	shalt  }
0x7b: {  	_ =	shalt  }
0x7c: {  	_ =	shalt  }
0x7d: {  	_ =	shalt  }
0x7e: {  	_ =	shalt  }
0x7f: {  	_ =	shalt  }
0x80: {  	_ =	shalt  }
0x81: {  	_ =	shalt  }
0x82: {  	_ =	shalt  }
0x83: {  	_ =	shalt  }
0x84: {  	_ =	shalt  }
0x85: {  	_ =	shalt  }
0x86: {  	_ =	shalt  }
0x87: {  	_ =	shalt  }
.Lfunc_end0:
.L_simem_size_0:
called_computation_lowered:
.L_overlay_start_0:
0x88: {  	s2 =	sld [smem:$0x3FD9]  }
0x89: {  	s3 =	sld [smem:$0x3FFE];
	_ =	sdelay $0x1  }
0x8a: {  	s1 =	srdreg.scid  }
0x8b: {  	s0 =	sand.u32 $0x1, s1  }
0x8c: {  	s17 =	sshll.u32 s0, $0xA;
	s2 =	sadd.s32 s3, s2  }
0x8d: {  	s2 =	sadd.s32 s2, s17  }
0x8e: {  	[smem:$0x3FC6] =	sst s2  }
0x8f: {  	_ = 	snop  }
0x90: {  	s2 =	sld [smem:$0x3FC9]  }
0x91: {  	s18 =	sld [smem:$0x3FC8];
	(tm) =	ssettm $0x1  }
0x92: {  	s4 =	sld [smem:$0x3FFB];
	_ =	sdelay $0x3  }
0x93: {  	_ =	strace s4  }
0x94: {  	s4 =	sld [smem:$0x3FFC];
	_ =	sdelay $0x3  }
0x95: {  	_ =	strace s4  }
0x96: {  	s4 =	sld [smem:$0x3FFD];
	_ =	sdelay $0x3  }
0x97: {  	_ =	strace s4  }
0x98: {  	_ =	strace $0x8FFFFFFF  }
0x99: {  	s19 =	sld [smem:$0x3FDB];
	_ =	sdelay $0x1  }
0x9a: {  	s5 =	simm.s32 $_scs_section_size  }
0x9b: {  	s6 =	simm.s32 $_size__tile_overlayer_lowered;
	s7 =	simm.s32 $_tile_overlayer_lowered  }
0x9c: {  	s22 =	simm.s32 $0x1BFF;
	s21 =	sshll.u32 s7, $0x1;
	s4 =	sadd.s32 s5, s19  }
0x9d: {  	s8 =	simm.s32 $0x0;
	s20 =	sshll.u32 s6, $0x1;
	s6 =	sadd.s32 s21, s4  }
0x9e: {  	[timem:s8], [sflag:s22] =	dma.local [hbm:s6], s20  }
0x9f: {  	_ =	swait.ge [sflag:s22], s20  }
0xa0: {  	s5 =	ssub.s32 $0x0, s20;
	[sflag:s22] =	ssyncset.done $0x0  }
0xa1: {  	[sflag:s22] =	ssyncadd.s32 s5;
	_ =	sdelay $0x1  }
0xa2: {  	s23 =	simm.s32 $0x1B8B  }
0xa3: {  	_ =	swait.ge [sflag:s23], $0x1  }
0xa4: {  	[sflag:s23] =	ssyncset.done $0x0  }
0xa5: {  	s25 =	simm.s32 $0x1B8E;
	s24 =	sld [smem:$0x3FFE];
	[sflag:s23] =	ssyncadd.s32 $0xFFFFFFFF  }
0xa6: {  	s26 =	simm.s32 $execute0_lowered;
	[smem:$0x3FD2] =	sst s25  }
0xa7: {  	s6 =	sshll.u32 s26, $0x1;
	_ =	strace $0x80000046;
	[dreg:$0x1] =	wrdreg $0xFFFFFFFF  }
0xa8: {  	s28 =	simm.s32 $_size_execute0_lowered;
	s4 =	sadd.s32 s4, s6;
	[dreg:$0x0] =	wrdreg $0x0  }
0xa9: {  	s6 =	sshll.u32 s28, $0x1;
	[dreg:$0x2] =	wrdreg s4  }
0xaa: {  	[dreg:$0x3] =	wrdreg s6  }
0xab: {  	[dreg:$0x4] =	wrdreg $0xC0  }
0xac: {  	_ =	task [dreg:s8], $0x5FFFF  }
0xad: {  	[dreg:$0x1] =	wrdreg $0xFFFFFFFF  }
0xae: {  	[dreg:$0x0] =	wrdreg $0x60  }
0xaf: {  	[dreg:$0x2] =	wrdreg s2  }
0xb0: {  	[dreg:$0x3] =	wrdreg s18  }
0xb1: {  	[dreg:$0x4] =	wrdreg s24  }
0xb2: {  	[dreg:$0x5] =	wrdreg $0x9  }
0xb3: {  	_ =	task.clear_ibuf [dreg:s8], $0x6FFFF;
	_ =	strace $0x90000046  }
0xb4: {  	s29 =	simm.s32 $0x9;
	_ =	strace $0x80000048  }
0xb5: {  	_ =	swait.ge [sflag:s29], $0x1  }
0xb6: {  	[sflag:s29] =	ssyncadd.s32 $0xFFFFFFFF  }
0xb7: {  	_ =	strace $0x90000048  }
0xb8: {  	_ =	sfence  }
0xb9: {  	s30 =	sld [smem:$0x0];
	_ =	sdelay $0x2  }
0xba: {  	s31 =	sshll.u32 s1, $0xD;
	s1 =	sshrl.u32 s1, $0x2  }
0xbb: {  	s3 =	sand.u32 $0x4000, s31;
	s1 =	sadd.s32 s1, s30  }
0xbc: {  	s0 =	sor.u32 s3, s0;
	s1 =	sshll.u32 s1, $0x11  }
0xbd: {  	s0 =	sor.u32 s1, s0  }
0xbe: {  	s0 =	sadd.s32 $0x8F2B, s0  }
0xbf: {  	[sflag:s0] =	ssyncadd.remote.s32 $0x1  }
0xc0: {  	_ =	sfence.sel $0xFFFF  }
0xc1: {  	[dreg:$0x0] =	wrdreg $0xFFFFFFFF;
	(pc) =	sbr.abs _section_cstart, $3  }
0xc2: {  	[dreg:$0x1] =	wrdreg $0xFFFFFFFF  }
0xc3: {  	_ =	task.clear_ibuf [dreg:s8], $0x2FFFF;
	_ =	strace $0x9FFFFFFF  }
0xc4: {  	(tm) =	ssettm $0x7FFFFFFF  }
0xc5: {  	_ =	shalt  }
tec
execute0_lowered:
.L_overlay_start_1:
0x0: {  	(tag) =	ssettag $0x1  }
0x1: {  	s1 =	rddreg [dreg:$0x0]  }
0x2: {  	s3 =	rddreg [dreg:$0x1]  }
0x3: {  	s4 =	rddreg [dreg:$0x2]  }
0x4: {  	s0 =	srdreg.scid;
	s2 =	stileid.u32  }
0x5: {  	s5 =	simm.s32 $0x0;
	s14 =	simm.s32 $0x8000;
	s15 =	simm.s32 $0x200  }
0x6: {  	s16 =	simm.s32 $0x400;
	s17 =	simm.s32 $0x4000;
	s18 =	simm.s32 $0x2000  }
0x7: {  	s19 =	simm.s32 $0x6000;
	s20 =	simm.s32 $0x3;
	s21 =	simm.s32 $0x1  }
0x8: {  	s22 =	simm.s32 $0x2;
	s23 =	simm.s32 $0xFF00;
	s24 =	simm.s32 $0x4  }
0x9: {  	s25 =	simm.s32 $0xFF80;
	s0 =	sand.u32 $0x1, s0;
	s2 =	sshll.u32 s2, $0x1  }
0xa: {  	s26 =	simm.s32 $0x0;
	[smem:$0x7FF] =	sst s5;
	s2 =	sor.u32 s0, s2  }
0xb: {  	s0 =	ssub.s32 $0x2, s0;
	_ =	strace $0x80000047;
	s7 =	smul.u32 $0x2800, s2  }
.Ltmp0:
0xc: {  	s6 =	sshll.u32 s2, $0x4;
	s31 =	sshrl.u32 s0, $0x1;
	(pc) =	sbr.rel .LBB2_1-.Ltmp0, $4  }
0xd: {  	s2 =	smul.u32 $0x14000, s2;
	s12 =	sadd.s32 s6, s4;
	s0 =	ssub.s32 s0, s31  }
0xe: {  	s9 =	sor.u32 $0x40, s7;
	s6 =	sadd.s32 s3, s7;
	s7 =	sadd.s32 s1, s7  }
0xf: {  	s10 =	sadd.s32 $0x4000, s2;
	s11 =	sadd.s32 $0x1000, s12;
	s12 =	sadd.s32 $0x1200, s12  }
0x10: {  	s13 =	smax.u32 s0, $0x1;
	s8 =	sadd.s32 s3, s9;
	s9 =	sadd.s32 s1, s9  }
.LBB2_8:
0x11: {  	v5 =	vadd.f32 v5, v6;
	_ =	sdelay $0x1  }
0x12: {  	v4 =	vadd.f32 v4, v5;
	_ =	sdelay $0x1  }
0x13: {  	v60 =	vadd.s32 v16, v14;
	v3 =	vadd.f32 v3, v4  }
0x14: {  	v61 =	vadd.s32 v17, v60  }
0x15: {  	v2 =	vadd.f32 v2, v3;
	v3 =	vadd.s32 v15, v61  }
0x16: {  	v62 =	vadd.s32 v10, v3  }
0x17: {  	v1 =	vadd.f32 v1, v2;
	v2 =	vadd.s32 v11, v62  }
0x18: {  	v63 =	vadd.s32 v27, v2  }
0x19: {  	v0 =	vadd.f32 v0, v1;
	v1 =	vadd.s32 v8, v63  }
0x1a: {  	v1 =	vcvt.s32.f32 v1  }
0x1b: {  	v0 =	vadd.f32 v9, v0  }
0x1c: {  	[tilespmem:$0xFF80] =	vst v1  }
0x1d: {  	[tilespmem:$0xFF00] =	vst v0  }
0x1e: {  	[hbm4b:s11+s5] =	stream.linear.scatter [tilespmem:s23], [sflag:$0x4], $0x80, $0x38;
	[tilespmem:$0x10000] =	vst v63  }
0x1f: {  	s26 =	sadd.s32 $0x1, s26;
	_ =	swait.ge [sflag:s24], $0x80  }
0x20: {  	p0 =	sne.s32 s26, s13;
	[sflag:s24] =	ssyncset.done $0x0  }
.Ltmp1:
0x21: {  	[sflag:s24] =	ssyncadd.s32 $0xFFFFFF80;
	(pc) =	sbr.rel @!p0 .LBB2_9-.Ltmp1, $4  }
0x22: {  	[hbm4b:s12+s5] =	stream.linear.scatter [tilespmem:s25], [sflag:$0x4], $0x80, $0x38;
	[tilespmem:$0x10000] =	vst v63  }
0x23: {  	_ =	swait.ge [sflag:s24], $0x80  }
0x24: {  	[sflag:s24] =	ssyncset.done $0x0  }
0x25: {  	[sflag:s24] =	ssyncadd.s32 $0xFFFFFF80  }
.LBB2_1:
0x26: {  	s0 =	rddreg [dreg:$0x2]  }
0x27: {  	[tilespmem:s14], [sflag:$0x3] =	stream.linear.gather [hbm4b:s0+s5], $0x7F00, $0x38;
	[tilespmem:$0x10000] =	vst v63  }
0x28: {  	_ = 	snop  }
0x29: {  	[tilespmem:s5], [sflag:$0x1] =	stream.strided.gather [hbm4b:s6+s15], $0x2000, s16, s15, $0x38;
	[tilespmem:$0x10000] =	vst v63  }
0x2a: {  	_ = 	snop  }
0x2b: {  	[tilespmem:s17], [sflag:$0x1] =	stream.strided.gather [hbm4b:s7+s15], $0x2000, s16, s15, $0x38;
	[tilespmem:$0x10000] =	vst v63  }
0x2c: {  	_ = 	snop  }
0x2d: {  	v9 =	vimm.f32 $0.0e+00;
	[tilespmem:s18], [sflag:$0x2] =	stream.strided.gather [hbm4b:s8+s15], $0x2000, s16, s15, $0x38;
	[tilespmem:$0x10000] =	vst v63  }
0x2e: {  	v8 =	vimm.s32 $0x0;
	v27 =	vimm.s32 $0x0;
	v11 =	vimm.s32 $0x0  }
0x2f: {  	v10 =	vimm.s32 $0x0;
	v15 =	vimm.s32 $0x0;
	v17 =	vimm.s32 $0x0;
	[tilespmem:s19], [sflag:$0x2] =	stream.strided.gather [hbm4b:s9+s15], $0x2000, s16, s15, $0x38;
	[tilespmem:$0x10000] =	vst v63  }
0x30: {  	v14 =	vimm.s32 $0x0;
	v16 =	vimm.s32 $0x0;
	v0 =	vimm.f32 $0.0e+00;
	_ =	swait.ge [sflag:s20], $0x7F00  }
0x31: {  	v1 =	vimm.f32 $0.0e+00;
	v2 =	vimm.f32 $0.0e+00;
	v3 =	vimm.f32 $0.0e+00;
	[sflag:s20] =	ssyncset.done $0x0  }
0x32: {  	v4 =	vimm.f32 $0.0e+00;
	v5 =	vimm.f32 $0.0e+00;
	v6 =	vimm.f32 $0.0e+00;
	s28 =	simm.s32 $0x0;
	[sflag:s20] =	ssyncadd.s32 $0xFFFF8100  }
.LBB2_2:
0x33: {  	_ =	swait.ge [sflag:s21], $0x2000  }
0x34: {  	[sflag:s21] =	ssyncset.done $0x0  }
0x35: {  	[sflag:s21] =	ssyncadd.s32 $0xFFFFE000  }
0x36: {  	s0 =	simm.s32 $0x0;
	_ =	swait.ge [sflag:s21], $0x2000  }
0x37: {  	s2 =	sand.u32 $0x1E00, s0;
	s0 =	sand.u32 $0x180, s0;
	[sflag:s21] =	ssyncset.done $0x0  }
0x38: {  	s0 =	sor.u32 s0, s2;
	[sflag:s21] =	ssyncadd.s32 $0xFFFFE000  }
0x39: {  	v7 =	vld [tilespmem:s0+$0x70]  }
0x3a: {  	v12 =	vld [tilespmem:s0+$0x0]  }
0x3b: {  	v13 =	vld [tilespmem:s0+$0x10]  }
0x3c: {  	v18 =	vld [tilespmem:s0+$0x20]  }
0x3d: {  	v19 =	vld [tilespmem:s0+$0x30]  }
0x3e: {  	v20 =	vld [tilespmem:s0+$0x40]  }
0x3f: {  	v21 =	vld [tilespmem:s0+$0x50]  }
0x40: {  	v22 =	vld [tilespmem:s0+$0x60]  }
0x41: {  	v23 =	vld [tilespmem:s0+$0x4000]  }
0x42: {  	v24 =	vld [tilespmem:s0+$0x4070]  }
0x43: {  	v26 =	vld [tilespmem:s0+$0x4010];
	v7 =	vshrl.u32 v7, $0xF  }
0x44: {  	v28 =	vld [tilespmem:s0+$0x4020]  }
0x45: {  	v33 =	vld [tilespmem:s0+$0x4040];
	v12 =	vshrl.u32 v12, $0xF  }
0x46: {  	v35 =	vld [tilespmem:s0+$0x4050];
	v30 =	vshrl.u32 v13, $0xF  }
0x47: {  	v37 =	vld [tilespmem:s0+$0x4060];
	v36 =	vshrl.u32 v20, $0xF  }
0x48: {  	v32 =	vshrl.u32 v18, $0xF;
	v25 =	vld.idx.msk [tilespmem:v7+s14+$0x0], $0xffff  }
0x49: {  	v31 =	vld [tilespmem:s0+$0x4030];
	v34 =	vshrl.u32 v19, $0xF;
	v18 =	vcvt.s32.f32 v24;
	v38 =	vshrl.u32 v21, $0xF  }
0x4a: {  	v13 =	vadd.s32 v16, v23;
	v16 =	vcvt.s32.f32 v23;
	v29 =	vshrl.u32 v22, $0xF;
	v23 =	vld.idx.msk [tilespmem:v12+s14+$0x0], $0xffff  }
0x4b: {  	v14 =	vadd.s32 v14, v26;
	v19 =	vcvt.s32.f32 v28;
	v7 =	vadd.s32 v8, v24;
	v24 =	vld.idx.msk [tilespmem:v30+s14+$0x0], $0xffff  }
0x4c: {  	v21 =	vcvt.s32.f32 v33;
	v10 =	vadd.s32 v10, v33;
	v12 =	vadd.s32 v17, v28;
	v28 =	vld.idx.msk [tilespmem:v36+s14+$0x0], $0xffff  }
0x4d: {  	v11 =	vadd.s32 v11, v35;
	v22 =	vcvt.s32.f32 v37;
	v20 =	vmul.f32 v18, v25;
	v25 =	vld.idx.msk [tilespmem:v32+s14+$0x0], $0xffff  }
0x4e: {  	s4 =	simm.s32 $0x200;
	s29 =	simm.s32 $0x8;
	v17 =	vcvt.s32.f32 v31;
	v8 =	vadd.s32 v15, v31;
	v18 =	vcvt.s32.f32 v26;
	v26 =	vld.idx.msk [tilespmem:v34+s14+$0x0], $0xffff  }
0x4f: {  	s30 =	simm.s32 $0x400;
	s31 =	sand.u32 $0x180, s29;
	s0 =	sand.u32 $0x1E00, s4;
	v15 =	vadd.f32 v20, v9;
	v20 =	vcvt.s32.f32 v35;
	v9 =	vadd.s32 v27, v37;
	v27 =	vld.idx.msk [tilespmem:v38+s14+$0x0], $0xffff  }
.LBB2_3:
0x50: {  	p0 =	sne.s32 s30, $0x7E00;
	s31 =	sor.u32 s31, s0;
	v16 =	vmul.f32 v16, v23;
	v23 =	vld.idx.msk [tilespmem:v29+s14+$0x0], $0xffff  }
0x51: {  	v18 =	vmul.f32 v18, v24;
	v29 =	vld [tilespmem:s31+$0x70]  }
0x52: {  	v24 =	vld [tilespmem:s31+$0x0];
	v6 =	vadd.f32 v16, v6;
	v16 =	vmul.f32 v19, v25  }
0x53: {  	v5 =	vadd.f32 v18, v5;
	v17 =	vmul.f32 v17, v26;
	v19 =	vld [tilespmem:s31+$0x10]  }
0x54: {  	v18 =	vld [tilespmem:s31+$0x20];
	v4 =	vadd.f32 v16, v4;
	v16 =	vmul.f32 v21, v28  }
0x55: {  	v3 =	vadd.f32 v17, v3;
	v17 =	vmul.f32 v20, v27;
	v21 =	vld [tilespmem:s31+$0x30]  }
0x56: {  	v20 =	vld [tilespmem:s31+$0x40];
	v25 =	vshrl.u32 v29, $0xF;
	v2 =	vadd.f32 v16, v2;
	v16 =	vmul.f32 v22, v23  }
0x57: {  	v1 =	vadd.f32 v17, v1;
	v22 =	vshrl.u32 v24, $0xF;
	v23 =	vld [tilespmem:s31+$0x50]  }
0x58: {  	v17 =	vshrl.u32 v19, $0xF;
	v19 =	vld [tilespmem:s31+$0x60];
	v0 =	vadd.f32 v16, v0  }
0x59: {  	v24 =	vld [tilespmem:s31+$0x4000];
	v26 =	vshrl.u32 v18, $0xF  }
0x5a: {  	v27 =	vshrl.u32 v21, $0xF;
	v18 =	vld [tilespmem:s31+$0x4070]  }
0x5b: {  	v28 =	vshrl.u32 v20, $0xF;
	v20 =	vld.idx.msk [tilespmem:v25+s14+$0x0], $0xffff  }
0x5c: {  	v21 =	vld [tilespmem:s31+$0x4010];
	v30 =	vshrl.u32 v23, $0xF  }
0x5d: {  	v25 =	vld [tilespmem:s31+$0x4020];
	v29 =	vshrl.u32 v19, $0xF  }
0x5e: {  	v16 =	vcvt.s32.f32 v24;
	v13 =	vadd.s32 v13, v24;
	v31 =	vld [tilespmem:s31+$0x4030]  }
0x5f: {  	v32 =	vld [tilespmem:s31+$0x4040];
	v19 =	vcvt.s32.f32 v18;
	v7 =	vadd.s32 v7, v18  }
0x60: {  	v33 =	vld [tilespmem:s31+$0x4050]  }
0x61: {  	v18 =	vcvt.s32.f32 v21;
	v14 =	vadd.s32 v14, v21;
	v34 =	vld [tilespmem:s31+$0x4060];
	v20 =	vmul.f32 v19, v20  }
0x62: {  	v23 =	vld.idx.msk [tilespmem:v22+s14+$0x0], $0xffff;
	v19 =	vcvt.s32.f32 v25;
	v12 =	vadd.s32 v12, v25  }
.Ltmp2:
0x63: {  	v24 =	vld.idx.msk [tilespmem:v17+s14+$0x0], $0xffff;
	v17 =	vcvt.s32.f32 v31;
	v8 =	vadd.s32 v8, v31;
	v15 =	vadd.f32 v20, v15;
	(pc) =	sbr.rel @p0 .LBB2_3-.Ltmp2, $4  }
0x64: {  	v25 =	vld.idx.msk [tilespmem:v26+s14+$0x0], $0xffff;
	v21 =	vcvt.s32.f32 v32;
	v10 =	vadd.s32 v10, v32  }
0x65: {  	v26 =	vld.idx.msk [tilespmem:v27+s14+$0x0], $0xffff;
	v20 =	vcvt.s32.f32 v33;
	v11 =	vadd.s32 v11, v33  }
0x66: {  	s29 =	sadd.s32 $0x8, s29;
	v28 =	vld.idx.msk [tilespmem:v28+s14+$0x0], $0xffff;
	v22 =	vcvt.s32.f32 v34;
	v9 =	vadd.s32 v9, v34  }
0x67: {  	s0 =	sand.u32 $0x1E00, s30;
	s30 =	sadd.s32 $0x200, s30;
	s31 =	sand.u32 $0x180, s29;
	v27 =	vld.idx.msk [tilespmem:v30+s14+$0x0], $0xffff  }
0x68: {  	_ =	sdelay $0x3  }
0x69: {  	s0 =	sor.u32 s31, s0;
	v29 =	vld.idx.msk [tilespmem:v29+s14+$0x0], $0xffff  }
0x6a: {  	v30 =	vld [tilespmem:s0+$0x70]  }
0x6b: {  	v31 =	vld [tilespmem:s0+$0x0]  }
0x6c: {  	v32 =	vld [tilespmem:s0+$0x10]  }
0x6d: {  	v33 =	vld [tilespmem:s0+$0x20]  }
0x6e: {  	v34 =	vld [tilespmem:s0+$0x30]  }
0x6f: {  	v35 =	vld [tilespmem:s0+$0x40]  }
0x70: {  	v36 =	vld [tilespmem:s0+$0x50]  }
0x71: {  	v37 =	vld [tilespmem:s0+$0x60]  }
0x72: {  	v38 =	vld [tilespmem:s0+$0x4000]  }
0x73: {  	v39 =	vld [tilespmem:s0+$0x4070]  }
0x74: {  	v40 =	vld [tilespmem:s0+$0x4010]  }
0x75: {  	v41 =	vld [tilespmem:s0+$0x4020];
	v30 =	vshrl.u32 v30, $0xF  }
0x76: {  	v42 =	vld [tilespmem:s0+$0x4030];
	v31 =	vshrl.u32 v31, $0xF  }
0x77: {  	v43 =	vld [tilespmem:s0+$0x4040];
	v32 =	vshrl.u32 v32, $0xF  }
0x78: {  	v44 =	vld [tilespmem:s0+$0x4050];
	v33 =	vshrl.u32 v33, $0xF  }
0x79: {  	v45 =	vld [tilespmem:s0+$0x4060];
	v34 =	vshrl.u32 v34, $0xF  }
0x7a: {  	v35 =	vshrl.u32 v35, $0xF;
	v30 =	vld.idx.msk [tilespmem:v30+s14+$0x0], $0xffff  }
0x7b: {  	v36 =	vshrl.u32 v36, $0xF;
	v31 =	vld.idx.msk [tilespmem:v31+s14+$0x0], $0xffff  }
0x7c: {  	v37 =	vshrl.u32 v37, $0xF;
	v32 =	vld.idx.msk [tilespmem:v32+s14+$0x0], $0xffff  }
0x7d: {  	s29 =	sshll.u32 s28, $0xE;
	p0 =	seq.s32 s28, $0x4;
	v33 =	vld.idx.msk [tilespmem:v33+s14+$0x0], $0xffff  }
0x7e: {  	s0 =	sadd.s32 @!p0 s29, s10;
	v34 =	vld.idx.msk [tilespmem:v34+s14+$0x0], $0xffff  }
0x7f: {  	s30 =	simm.s32 @!p0 $0x200;
	s0 =	sshrl.u32 @!p0 s0, $0x3;
	v35 =	vld.idx.msk [tilespmem:v35+s14+$0x0], $0xffff  }
0x80: {  	s31 =	simm.s32 @!p0 $0x400;
	s4 =	simm.s32 @!p0 $0x0;
	s2 =	sadd.s32 @!p0 s3, s0;
	v36 =	vld.idx.msk [tilespmem:v36+s14+$0x0], $0xffff  }
0x81: {  	v37 =	vld.idx.msk [tilespmem:v37+s14+$0x0], $0xffff;
	[tilespmem:s4], [sflag:$0x1] =	stream.strided.gather @!p0 [hbm4b:s2+s30], $0x2000, s31, s30, $0x38  }
0x82: {  	s0 =	sadd.s32 @!p0 s1, s0;
	s2 =	simm.s32 @!p0 $0x4000  }
0x83: {  	[tilespmem:s2], [sflag:$0x1] =	stream.strided.gather @!p0 [hbm4b:s0+s30], $0x2000, s31, s30, $0x38;
	[tilespmem:$0x10000] =	vst v63  }
0x84: {  	_ =	swait.ge [sflag:s22], $0x2000  }
0x85: {  	[sflag:s22] =	ssyncset.done $0x0  }
0x86: {  	v16 =	vmul.f32 v16, v23;
	[sflag:s22] =	ssyncadd.s32 $0xFFFFE000  }
0x87: {  	v18 =	vmul.f32 v18, v24;
	s2 =	simm.s32 $0x0;
	_ =	swait.ge [sflag:s22], $0x2000  }
0x88: {  	v6 =	vadd.f32 v16, v6;
	v16 =	vmul.f32 v19, v25;
	s4 =	sand.u32 $0x1E00, s2;
	s0 =	sand.u32 $0x180, s2;
	[sflag:s22] =	ssyncset.done $0x0  }
0x89: {  	v5 =	vadd.f32 v18, v5;
	v17 =	vmul.f32 v17, v26;
	s30 =	sor.u32 s0, s4;
	[sflag:s22] =	ssyncadd.s32 $0xFFFFE000  }
0x8a: {  	v18 =	vmul.f32 v21, v28;
	v4 =	vadd.f32 v16, v4;
	v16 =	vmul.f32 v20, v27;
	v19 =	vld [tilespmem:s30+$0x2070]  }
0x8b: {  	v3 =	vadd.f32 v17, v3;
	v20 =	vmul.f32 v22, v29;
	v21 =	vld [tilespmem:s30+$0x2000]  }
0x8c: {  	v2 =	vadd.f32 v18, v2;
	v16 =	vadd.f32 v16, v1;
	v17 =	vld [tilespmem:s30+$0x2010]  }
0x8d: {  	v1 =	vcvt.s32.f32 v38;
	v18 =	vadd.f32 v20, v0;
	v0 =	vcvt.s32.f32 v39;
	v20 =	vld [tilespmem:s30+$0x2020]  }
0x8e: {  	v7 =	vadd.s32 v7, v39;
	v23 =	vcvt.s32.f32 v40;
	v25 =	vadd.s32 v14, v40;
	v22 =	vld [tilespmem:s30+$0x2030]  }
0x8f: {  	v14 =	vcvt.s32.f32 v41;
	v29 =	vadd.s32 v8, v42;
	v0 =	vmul.f32 v0, v30;
	v24 =	vld [tilespmem:s30+$0x2040]  }
0x90: {  	v8 =	vcvt.s32.f32 v42;
	v58 =	vadd.s32 v9, v45;
	v1 =	vmul.f32 v1, v31;
	v26 =	vld [tilespmem:s30+$0x2050]  }
0x91: {  	v30 =	vadd.s32 v10, v43;
	v27 =	vadd.f32 v0, v15;
	v15 =	vmul.f32 v23, v32;
	v23 =	vld [tilespmem:s30+$0x2060]  }
0x92: {  	v10 =	vcvt.s32.f32 v43;
	v31 =	vadd.s32 v11, v44;
	v11 =	vcvt.s32.f32 v44;
	v28 =	vld [tilespmem:s30+$0x6000]  }
0x93: {  	v0 =	vadd.f32 v1, v6;
	v6 =	vmul.f32 v14, v33;
	v1 =	vadd.f32 v15, v5;
	v5 =	vld [tilespmem:s30+$0x6070]  }
0x94: {  	v9 =	vcvt.s32.f32 v45;
	v8 =	vmul.f32 v8, v34;
	v59 =	vld [tilespmem:s30+$0x6030];
	v19 =	vshrl.u32 v19, $0xF  }
0x95: {  	v11 =	vmul.f32 v11, v36;
	v6 =	vadd.f32 v6, v4;
	v4 =	vmul.f32 v10, v35;
	v61 =	vld [tilespmem:s30+$0x6050]  }
0x96: {  	v14 =	vmul.f32 v9, v37;
	v9 =	vadd.f32 v8, v3;
	v10 =	vshrl.u32 v21, $0xF;
	v21 =	vld [tilespmem:s30+$0x6020]  }
0x97: {  	v3 =	vadd.f32 v4, v2;
	v17 =	vshrl.u32 v17, $0xF;
	v2 =	vshrl.u32 v20, $0xF;
	v20 =	vld [tilespmem:s30+$0x6040]  }
0x98: {  	v8 =	vadd.f32 v11, v16;
	v11 =	vcvt.s32.f32 v5;
	v5 =	vadd.s32 v7, v5;
	v7 =	vld [tilespmem:s30+$0x6060]  }
0x99: {  	v13 =	vadd.s32 v13, v38;
	v63 =	vshrl.u32 v26, $0xF;
	v15 =	vld.idx.msk [tilespmem:v19+s14+$0x0], $0xffff  }
0x9a: {  	v12 =	vadd.s32 v12, v41;
	v4 =	vadd.f32 v14, v18;
	v60 =	vshrl.u32 v22, $0xF;
	v19 =	vld [tilespmem:s30+$0x6010]  }
0x9b: {  	v62 =	vshrl.u32 v24, $0xF;
	v14 =	vadd.s32 v13, v28;
	v16 =	vcvt.s32.f32 v28;
	v24 =	vld.idx.msk [tilespmem:v10+s14+$0x0], $0xffff  }
0x9c: {  	v23 =	vshrl.u32 v23, $0xF;
	v26 =	vld.idx.msk [tilespmem:v17+s14+$0x0], $0xffff;
	v22 =	vcvt.s32.f32 v21;
	v10 =	vadd.s32 v12, v21  }
0x9d: {  	v28 =	vld.idx.msk [tilespmem:v2+s14+$0x0], $0xffff;
	v17 =	vcvt.s32.f32 v59;
	v12 =	vadd.s32 v29, v59;
	v13 =	vadd.s32 v30, v20  }
0x9e: {  	v21 =	vcvt.s32.f32 v61;
	v2 =	vadd.s32 v31, v61;
	v29 =	vld.idx.msk [tilespmem:v63+s14+$0x0], $0xffff;
	v11 =	vmul.f32 v11, v15  }
0x9f: {  	s4 =	simm.s32 $0x200;
	s30 =	simm.s32 $0x8;
	v18 =	vcvt.s32.f32 v19;
	v15 =	vadd.s32 v25, v19;
	v25 =	vld.idx.msk [tilespmem:v60+s14+$0x0], $0xffff;
	v19 =	vcvt.s32.f32 v20  }
0xa0: {  	s31 =	simm.s32 $0x400;
	s0 =	sand.u32 $0x1E00, s4;
	s2 =	sand.u32 $0x180, s30;
	v20 =	vcvt.s32.f32 v7;
	v7 =	vadd.s32 v58, v7;
	v11 =	vadd.f32 v11, v27;
	v27 =	vld.idx.msk [tilespmem:v62+s14+$0x0], $0xffff  }
.LBB2_5:
0xa1: {  	p1 =	sne.s32 s31, $0x7E00;
	s0 =	sor.u32 s2, s0;
	v16 =	vmul.f32 v16, v24;
	v23 =	vld.idx.msk [tilespmem:v23+s14+$0x0], $0xffff  }
0xa2: {  	v18 =	vmul.f32 v18, v26;
	v24 =	vld [tilespmem:s0+$0x2070]  }
0xa3: {  	v26 =	vld [tilespmem:s0+$0x2000];
	v0 =	vadd.f32 v16, v0;
	v16 =	vmul.f32 v22, v28  }
0xa4: {  	v1 =	vadd.f32 v18, v1;
	v17 =	vmul.f32 v17, v25;
	v22 =	vld [tilespmem:s0+$0x2010]  }
0xa5: {  	v18 =	vld [tilespmem:s0+$0x2020];
	v6 =	vadd.f32 v16, v6;
	v16 =	vmul.f32 v19, v27  }
0xa6: {  	v9 =	vadd.f32 v17, v9;
	v17 =	vmul.f32 v21, v29;
	v19 =	vld [tilespmem:s0+$0x2030]  }
0xa7: {  	v21 =	vld [tilespmem:s0+$0x2040];
	v24 =	vshrl.u32 v24, $0xF;
	v3 =	vadd.f32 v16, v3;
	v16 =	vmul.f32 v20, v23  }
0xa8: {  	v8 =	vadd.f32 v17, v8;
	v20 =	vshrl.u32 v26, $0xF;
	v23 =	vld [tilespmem:s0+$0x2050]  }
0xa9: {  	v17 =	vshrl.u32 v22, $0xF;
	v22 =	vld [tilespmem:s0+$0x2060];
	v4 =	vadd.f32 v16, v4  }
0xaa: {  	v25 =	vld [tilespmem:s0+$0x6000];
	v27 =	vshrl.u32 v18, $0xF  }
0xab: {  	v29 =	vshrl.u32 v19, $0xF;
	v18 =	vld [tilespmem:s0+$0x6070]  }
0xac: {  	v30 =	vshrl.u32 v21, $0xF;
	v19 =	vld.idx.msk [tilespmem:v24+s14+$0x0], $0xffff  }
0xad: {  	v21 =	vld [tilespmem:s0+$0x6010];
	v31 =	vshrl.u32 v23, $0xF  }
0xae: {  	v26 =	vld [tilespmem:s0+$0x6020];
	v23 =	vshrl.u32 v22, $0xF  }
0xaf: {  	v16 =	vcvt.s32.f32 v25;
	v14 =	vadd.s32 v14, v25;
	v25 =	vld [tilespmem:s0+$0x6030]  }
0xb0: {  	v32 =	vld [tilespmem:s0+$0x6040];
	v22 =	vcvt.s32.f32 v18;
	v5 =	vadd.s32 v5, v18  }
0xb1: {  	v33 =	vld [tilespmem:s0+$0x6050]  }
0xb2: {  	v18 =	vcvt.s32.f32 v21;
	v15 =	vadd.s32 v15, v21;
	v34 =	vld [tilespmem:s0+$0x6060];
	v19 =	vmul.f32 v22, v19  }
0xb3: {  	v24 =	vld.idx.msk [tilespmem:v20+s14+$0x0], $0xffff;
	v22 =	vcvt.s32.f32 v26;
	v10 =	vadd.s32 v10, v26  }
.Ltmp3:
0xb4: {  	v26 =	vld.idx.msk [tilespmem:v17+s14+$0x0], $0xffff;
	v17 =	vcvt.s32.f32 v25;
	v12 =	vadd.s32 v12, v25;
	v11 =	vadd.f32 v19, v11;
	(pc) =	sbr.rel @p1 .LBB2_5-.Ltmp3, $4  }
0xb5: {  	v28 =	vld.idx.msk [tilespmem:v27+s14+$0x0], $0xffff;
	v19 =	vcvt.s32.f32 v32;
	v13 =	vadd.s32 v13, v32  }
0xb6: {  	v25 =	vld.idx.msk [tilespmem:v29+s14+$0x0], $0xffff;
	v21 =	vcvt.s32.f32 v33;
	v2 =	vadd.s32 v2, v33  }
0xb7: {  	s30 =	sadd.s32 $0x8, s30;
	v27 =	vld.idx.msk [tilespmem:v30+s14+$0x0], $0xffff;
	v20 =	vcvt.s32.f32 v34;
	v7 =	vadd.s32 v7, v34  }
0xb8: {  	s2 =	sand.u32 $0x180, s30;
	s0 =	sand.u32 $0x1E00, s31;
	s31 =	sadd.s32 $0x200, s31;
	v29 =	vld.idx.msk [tilespmem:v31+s14+$0x0], $0xffff  }
0xb9: {  	_ =	sdelay $0x3  }
0xba: {  	s0 =	sor.u32 s2, s0;
	v23 =	vld.idx.msk [tilespmem:v23+s14+$0x0], $0xffff  }
0xbb: {  	v30 =	vld [tilespmem:s0+$0x2070]  }
0xbc: {  	v31 =	vld [tilespmem:s0+$0x2000]  }
0xbd: {  	v32 =	vld [tilespmem:s0+$0x2010]  }
0xbe: {  	v33 =	vld [tilespmem:s0+$0x2020]  }
0xbf: {  	v34 =	vld [tilespmem:s0+$0x2030]  }
0xc0: {  	v35 =	vld [tilespmem:s0+$0x2040]  }
0xc1: {  	v36 =	vld [tilespmem:s0+$0x2050]  }
0xc2: {  	v37 =	vld [tilespmem:s0+$0x2060]  }
0xc3: {  	v38 =	vld [tilespmem:s0+$0x6000]  }
0xc4: {  	v39 =	vld [tilespmem:s0+$0x6070]  }
0xc5: {  	v40 =	vld [tilespmem:s0+$0x6010]  }
0xc6: {  	v41 =	vld [tilespmem:s0+$0x6020];
	v30 =	vshrl.u32 v30, $0xF  }
0xc7: {  	v16 =	vmul.f32 v16, v24;
	v18 =	vmul.f32 v18, v26;
	v26 =	vld [tilespmem:s0+$0x6030];
	v31 =	vshrl.u32 v31, $0xF  }
0xc8: {  	v55 =	vld [tilespmem:s0+$0x6040];
	v24 =	vshrl.u32 v32, $0xF  }
0xc9: {  	v22 =	vmul.f32 v22, v28;
	v56 =	vld [tilespmem:s0+$0x6050];
	v0 =	vadd.f32 v16, v0;
	v28 =	vshrl.u32 v33, $0xF  }
0xca: {  	v1 =	vadd.f32 v18, v1;
	v16 =	vmul.f32 v17, v25;
	v25 =	vld [tilespmem:s0+$0x6060];
	v18 =	vshrl.u32 v34, $0xF  }
0xcb: {  	v22 =	vadd.f32 v22, v6;
	v6 =	vshrl.u32 v35, $0xF;
	v30 =	vld.idx.msk [tilespmem:v30+s14+$0x0], $0xffff  }
0xcc: {  	v17 =	vmul.f32 v19, v27;
	v19 =	vmul.f32 v21, v29;
	v57 =	vshrl.u32 v36, $0xF;
	v27 =	vld.idx.msk [tilespmem:v31+s14+$0x0], $0xffff  }
0xcd: {  	v29 =	vadd.f32 v16, v9;
	v58 =	vshrl.u32 v37, $0xF;
	v59 =	vld.idx.msk [tilespmem:v24+s14+$0x0], $0xffff  }
0xce: {  	v9 =	vmul.f32 v20, v23;
	v19 =	vadd.f32 v19, v8;
	v24 =	vadd.f32 v17, v3;
	v3 =	vld.idx.msk [tilespmem:v28+s14+$0x0], $0xffff  }
0xcf: {  	v16 =	vadd.s32 v14, v38;
	v60 =	vcvt.s32.f32 v38;
	v8 =	vadd.s32 v5, v39;
	v18 =	vld.idx.msk [tilespmem:v18+s14+$0x0], $0xffff  }
0xd0: {  	v5 =	vcvt.s32.f32 v40;
	v28 =	vadd.f32 v9, v4;
	v4 =	vcvt.s32.f32 v39;
	v61 =	vld.idx.msk [tilespmem:v6+s14+$0x0], $0xffff  }
0xd1: {  	v14 =	vadd.s32 v15, v40;
	v62 =	vcvt.s32.f32 v41;
	v63 =	vcvt.s32.f32 v26;
	v21 =	vld.idx.msk [tilespmem:v57+s14+$0x0], $0xffff  }
0xd2: {  	v15 =	vadd.s32 v12, v26;
	v17 =	vadd.s32 v10, v41;
	v12 =	vld.idx.msk [tilespmem:v58+s14+$0x0], $0xffff;
	v4 =	vmul.f32 v4, v30  }
0xd3: {  	v10 =	vadd.s32 v13, v55;
	v13 =	vcvt.s32.f32 v25;
	v6 =	vmul.f32 v60, v27  }
0xd4: {  	v5 =	vmul.f32 v5, v59;
	v9 =	vadd.f32 v4, v11;
	v4 =	vcvt.s32.f32 v55  }
.Ltmp4:
0xd5: {  	v11 =	vcvt.s32.f32 v56;
	v6 =	vadd.f32 v6, v0;
	v0 =	vmul.f32 v62, v3;
	(pc) =	sbr.rel @p0 .LBB2_8-.Ltmp4, $4  }
0xd6: {  	v5 =	vadd.f32 v5, v1;
	v1 =	vmul.f32 v63, v18;
	v18 =	vmul.f32 v4, v61  }
0xd7: {  	v12 =	vmul.f32 v13, v12;
	v4 =	vadd.f32 v0, v22;
	v0 =	vmul.f32 v11, v21  }
0xd8: {  	v11 =	vadd.s32 v2, v56;
	v3 =	vadd.f32 v1, v29;
	v2 =	vadd.f32 v18, v24  }
0xd9: {  	v27 =	vadd.s32 v7, v25;
	v1 =	vadd.f32 v0, v19;
	v0 =	vadd.f32 v12, v28  }
0xda: {  	s0 =	sadd.s32 s29, s10  }
0xdb: {  	s0 =	sshrl.u32 s0, $0x3  }
.Ltmp5:
0xdc: {  	s0 =	sor.u32 $0x40, s0;
	(pc) =	sbr.rel .LBB2_2-.Ltmp5, $4  }
0xdd: {  	s2 =	sadd.s32 s3, s0  }
0xde: {  	[tilespmem:s18], [sflag:$0x2] =	stream.strided.gather [hbm4b:s2+s15], $0x2000, s16, s15, $0x38;
	[tilespmem:$0x10000] =	vst v63  }
0xdf: {  	s28 =	sadd.s32 $0x1, s28;
	s0 =	sadd.s32 s1, s0  }
0xe0: {  	[tilespmem:s19], [sflag:$0x2] =	stream.strided.gather [hbm4b:s0+s15], $0x2000, s16, s15, $0x38;
	[tilespmem:$0x10000] =	vst v63  }
.LBB2_9:
0xe1: {  	_ =	sfence.sel $0x180000  }
0xe2: {  	[bflag:$0x0] =	sbarrier.arrive $0xFFFF  }
0xe3: {  	_ =	strace $0x90000047  }
0xe4: {  	s0 =	stileid.u32;
	[bflag:$0x2] =	sbarrier.arrive $0xFFFF  }
0xe5: {  	p0 =	sne.s32 s0, $0x0;
	s0 =	rddreg [dreg:$0x3]  }
0xe6: {  	s0 =	sadd.s32 @!p0 $0x100000, s0  }
0xe7: {  	[sflag:s0] =	ssyncadd.tile.s32 @!p0 $0x1;
	_ =	shalt  }
.Lfunc_end2:
_tile_overlayer_lowered:
.L_overlay_start_2:
0xe8: {  	(tag) =	ssettag $0x2  }
0xe9: {  	s0 =	rddreg [dreg:$0x0];
	s2 =	stileid.u32  }
0xea: {  	s1 =	rddreg [dreg:$0x1];
	p0 =	sne.s32 s2, $0x0  }
0xeb: {  	s3 =	rddreg [dreg:$0x2];
	[bflag:$0x3] =	sbarrier.arrive $0xFFFF;
	s2 =	simm.s32 @!p0 $0x1C04  }
0xec: {  	[timem:s3], [sflag:s2] =	dma.local @!p0 [hbm:s0], s1  }
0xed: {  	s0 =	simm.s32 @!p0 $0x4  }
0xee: {  	_ =	swait.ge @!p0 [sflag:s0], s1  }
0xef: {  	s1 =	ssub.s32 @!p0 $0x0, s1;
	[sflag:s0] =	ssyncset.done @!p0 $0x0  }
0xf0: {  	[sflag:s0] =	ssyncadd.s32 @!p0 s1  }
0xf1: {  	[bflag:$0x3] =	sbarrier.arrive $0xFFFF  }
0xf2: {  	_ =	shalt  }

</sc_bundles>
